<compile_context>
chip_gen: v7x
topology: tpu7x:2x2x1
jax: 0.10.2.dev20260603
libtpu: 0.0.44.dev20260713+nightly
codegen_flags: <defaults>
</compile_context>

<pallas_src>
import functools

import jax
import jax.numpy as jnp
import numpy as np
from jax import lax
from jax.experimental import pallas as pl
from jax.experimental.pallas import tpu as pltpu
from jax.experimental.pallas import tpu_sc as plsc

N_ROWS = 16384
N_CLASSES_K = 1000
COLD = np.float32(0.1 / 1000.0)
HOT = np.float32(np.float32(1.0 - 0.1) + COLD)

NW = 32
ROWS_PER_W = N_ROWS // NW
CHUNK_ROWS = 32
NCHUNK = ROWS_PER_W // CHUNK_ROWS
NBUF = 2

_FILL_STARTS = list(range(0, N_CLASSES_K - 15, 16))
if _FILL_STARTS[-1] + 16 < N_CLASSES_K:
    _FILL_STARTS.append(N_CLASSES_K - 16)


def _poke(buf, tgt_v, c, value_vec):
    for j in range(CHUNK_ROWS // 16):
        tgt16 = tgt_v[pl.ds(c * CHUNK_ROWS + j * 16, 16)]
        row = lax.iota(jnp.int32, 16) + (j * 16)
        plsc.store_scatter(buf, [row, tgt16], value_vec)


def _sc_body(tgt_hbm, out_hbm, tgt_v, bufs, sems):
    wid = lax.axis_index("s") * 2 + lax.axis_index("c")
    base_row = wid * ROWS_PER_W

    pltpu.sync_copy(tgt_hbm.at[pl.ds(base_row, ROWS_PER_W)], tgt_v)

    cold_vec = jnp.full((16,), COLD, jnp.float32)
    hot_vec = jnp.full((16,), HOT, jnp.float32)

    def fill(i, _):
        for b in range(NBUF):
            for cs in _FILL_STARTS:
                bufs[b][i, pl.ds(cs, 16)] = cold_vec
        return 0

    lax.fori_loop(0, CHUNK_ROWS, fill, 0)

    copies = [None] * NCHUNK
    for c in range(NCHUNK):
        b = c % NBUF
        if c >= NBUF:
            copies[c - NBUF].wait()
            _poke(bufs[b], tgt_v, c - NBUF, cold_vec)
        _poke(bufs[b], tgt_v, c, hot_vec)
        copies[c] = pltpu.async_copy(
            bufs[b], out_hbm.at[pl.ds(base_row + c * CHUNK_ROWS, CHUNK_ROWS)],
            sems[b])
    for c in range(NCHUNK - NBUF, NCHUNK):
        copies[c].wait()


@functools.partial(
    pl.kernel,
    out_type=jax.ShapeDtypeStruct((N_ROWS, N_CLASSES_K), jnp.float32),
    mesh=plsc.VectorSubcoreMesh(
        core_axis_name="c", subcore_axis_name="s", num_cores=2, num_subcores=16),
    scratch_types=[
        pltpu.VMEM((ROWS_PER_W,), jnp.int32),
        [pltpu.VMEM((CHUNK_ROWS, N_CLASSES_K), jnp.float32) for _ in range(NBUF)],
        [pltpu.SemaphoreType.DMA for _ in range(NBUF)],
    ],
    compiler_params=pltpu.CompilerParams(needs_layout_passes=False, use_tc_tiling_on_sc=True),
)
def _sc_one_hot(tgt_hbm, out_hbm, tgt_v, bufs, sems):
    _sc_body(tgt_hbm, out_hbm, tgt_v, bufs, sems)


def kernel(target):
    return _sc_one_hot(target.astype(jnp.int32))

# --- scband reference (transcript-rebuilt; emitter-appended) ---
"""Pipeline reference for scband-one-hot-73753178407097 (READ-ONLY COPY).

The authoritative reference and input builder live on the scoring server;
editing this copy changes nothing except your own understanding.
"""

import jax, jax.numpy as jnp
import numpy as np

N_CLASSES = 1000
SMOOTH = 0.1

def setup_inputs(seed: int = 0) -> dict:
    key = jax.random.key(seed)
    target = jax.random.randint(key, (16384,), 0, N_CLASSES, dtype=jnp.int64 if jax.config.jax_enable_x64 else jnp.int32)
    return {"target": target}

def reference(target) -> jnp.ndarray:
    # F.one_hot(target, n_classes)
    result = jax.nn.one_hot(target, N_CLASSES, dtype=jnp.float32)
    # label smoothing: (1 - smooth) * onehot + smooth / n_classes
    result = (1.0 - SMOOTH) * result + SMOOTH / N_CLASSES
    # cast to self.dtype (torch.float -> float32)
    result = result.astype(jnp.float32)
    return result

if __name__ == "__main__":
    import jax
    _d = setup_inputs()
    print(jax.jit(kernel)(*tuple(_d.values())))

</pallas_src>

<mosaic_0001>
#map = affine_map<(d0, d1) -> (0)>
#map1 = affine_map<(d0, d1) -> (0, 0)>
module attributes {stable_mosaic.version = 14 : i64} {
  func.func @_sc_one_hot(%arg0: i32, %arg1: i32, %arg2: memref<16384xi32, #tpu.memory_space<hbm>>, %arg3: memref<16384x1000xf32, #tpu.memory_space<hbm>>, %arg4: memref<512xi32, #tpu.memory_space<vmem>>, %arg5: memref<32x1000xf32, #tpu.memory_space<vmem>>, %arg6: memref<32x1000xf32, #tpu.memory_space<vmem>>, %arg7: memref<!tpu.dma_semaphore, #tpu.memory_space<semaphore_mem>>, %arg8: memref<!tpu.dma_semaphore, #tpu.memory_space<semaphore_mem>>) attributes {dimension_semantics = [#tpu.dimension_semantics<core_parallel>, #tpu.dimension_semantics<subcore_parallel>], iteration_bounds = array<i64: 2, 16>, scalar_prefetch = 0 : i64, scratch_operands = 5 : i64, tpu.core_type = #tpu.core_type<sc_vector_subcore>, window_params = [{transform_indices = #map}, {transform_indices = #map1}]} {
    %mul3A = arith.constant 2 : i32
    %mul3A_0 = arith.muli %arg1, %mul3A : i32
    %add3A = arith.addi %mul3A_0, %arg0 : i32
    %mul3A_1 = arith.constant 512 : i32
    %mul3A_2 = arith.muli %add3A, %mul3A_1 : i32
    "tpu.region"() ({
      %run_scoped3A = tpu.sem_alloc : memref<!tpu.dma_semaphore, #tpu.memory_space<semaphore_mem>>
      %dma_start3A_528 = tpu.memref_slice %arg2[%mul3A_2] : memref<16384xi32, #tpu.memory_space<hbm>> -> memref<512xi32, #tpu.memory_space<hbm>>
      %dma_start3A_529 = tpu.memref_slice %arg2[%mul3A_2] : memref<16384xi32, #tpu.memory_space<hbm>> -> memref<512xi32, #tpu.memory_space<hbm>>
      tpu.enqueue_dma source(%dma_start3A_529 : memref<512xi32, #tpu.memory_space<hbm>>) target(%arg4 : memref<512xi32, #tpu.memory_space<vmem>>) target_semaphore(%run_scoped3A : memref<!tpu.dma_semaphore, #tpu.memory_space<semaphore_mem>>)
      %dma_wait3A_530 = tpu.memref_slice %arg2[%mul3A_2] : memref<16384xi32, #tpu.memory_space<hbm>> -> memref<512xi32, #tpu.memory_space<hbm>>
      %dma_wait3A_531 = tpu.memref_slice %arg2[%mul3A_2] : memref<16384xi32, #tpu.memory_space<hbm>> -> memref<512xi32, #tpu.memory_space<hbm>>
      tpu.wait_dma2 semaphore(%run_scoped3A : memref<!tpu.dma_semaphore, #tpu.memory_space<semaphore_mem>>) src(%dma_wait3A_531 : memref<512xi32, #tpu.memory_space<hbm>>) dst(%arg4 : memref<512xi32, #tpu.memory_space<vmem>>)
      tpu.yield
    }) : () -> ()
    %broadcast_in_dim3A = arith.constant 9.99999974E-5 : f32
    %broadcast_in_dim3A_3 = vector.broadcast %broadcast_in_dim3A : f32 to vector<16xf32>
    %broadcast_in_dim3A_4 = arith.constant 9.001000e-01 : f32
    %broadcast_in_dim3A_5 = vector.broadcast %broadcast_in_dim3A_4 : f32 to vector<16xf32>
    %scan3A = arith.constant 0 : i32
    %scan3A_6 = arith.constant 0 : i32
    %scan3A_7 = arith.constant 32 : i32
    %scan3A_8 = arith.addi %scan3A_6, %scan3A_7 : i32
    %scan3A_9 = arith.constant 1 : i32
    %scan3A_10 = scf.for %scan3A_528 = %scan3A_6 to %scan3A_8 step %scan3A_9 iter_args(%scan3A_529 = %scan3A) -> (i32)  : i32 {
      %swap3A = arith.index_cast %scan3A_528 : i32 to index
      %swap3A_530 = arith.constant 0 : index
      %swap3A_531 = tpu.vector_load %arg5[%swap3A, %swap3A_530] {strides = array<i32>} : memref<32x1000xf32, #tpu.memory_space<vmem>>, vector<16xf32>,
      tpu.vector_store %arg5[%swap3A, %swap3A_530], %broadcast_in_dim3A_3 {strides = array<i32>} : memref<32x1000xf32, #tpu.memory_space<vmem>>, vector<16xf32>,
      %swap3A_532 = arith.index_cast %scan3A_528 : i32 to index
      %swap3A_533 = arith.constant 16 : index
      %swap3A_534 = tpu.vector_load %arg5[%swap3A_532, %swap3A_533] {strides = array<i32>} : memref<32x1000xf32, #tpu.memory_space<vmem>>, vector<16xf32>,
      tpu.vector_store %arg5[%swap3A_532, %swap3A_533], %broadcast_in_dim3A_3 {strides = array<i32>} : memref<32x1000xf32, #tpu.memory_space<vmem>>, vector<16xf32>,
      %swap3A_535 = arith.index_cast %scan3A_528 : i32 to index
      %swap3A_536 = arith.constant 32 : index
      %swap3A_537 = tpu.vector_load %arg5[%swap3A_535, %swap3A_536] {strides = array<i32>} : memref<32x1000xf32, #tpu.memory_space<vmem>>, vector<16xf32>,
      tpu.vector_store %arg5[%swap3A_535, %swap3A_536], %broadcast_in_dim3A_3 {strides = array<i32>} : memref<32x1000xf32, #tpu.memory_space<vmem>>, vector<16xf32>,
      %swap3A_538 = arith.index_cast %scan3A_528 : i32 to index
      %swap3A_539 = arith.constant 48 : index
      %swap3A_540 = tpu.vector_load %arg5[%swap3A_538, %swap3A_539] {strides = array<i32>} : memref<32x1000xf32, #tpu.memory_space<vmem>>, vector<16xf32>,
      tpu.vector_store %arg5[%swap3A_538, %swap3A_539], %broadcast_in_dim3A_3 {strides = array<i32>} : memref<32x1000xf32, #tpu.memory_space<vmem>>, vector<16xf32>,
      %swap3A_541 = arith.index_cast %scan3A_528 : i32 to index
      %swap3A_542 = arith.constant 64 : index
      %swap3A_543 = tpu.vector_load %arg5[%swap3A_541, %swap3A_542] {strides = array<i32>} : memref<32x1000xf32, #tpu.memory_space<vmem>>, vector<16xf32>,
      tpu.vector_store %arg5[%swap3A_541, %swap3A_542], %broadcast_in_dim3A_3 {strides = array<i32>} : memref<32x1000xf32, #tpu.memory_space<vmem>>, vector<16xf32>,
      %swap3A_544 = arith.index_cast %scan3A_528 : i32 to index
      %swap3A_545 = arith.constant 80 : index
      %swap3A_546 = tpu.vector_load %arg5[%swap3A_544, %swap3A_545] {strides = array<i32>} : memref<32x1000xf32, #tpu.memory_space<vmem>>, vector<16xf32>,
      tpu.vector_store %arg5[%swap3A_544, %swap3A_545], %broadcast_in_dim3A_3 {strides = array<i32>} : memref<32x1000xf32, #tpu.memory_space<vmem>>, vector<16xf32>,
      %swap3A_547 = arith.index_cast %scan3A_528 : i32 to index
      %swap3A_548 = arith.constant 96 : index
      %swap3A_549 = tpu.vector_load %arg5[%swap3A_547, %swap3A_548] {strides = array<i32>} : memref<32x1000xf32, #tpu.memory_space<vmem>>, vector<16xf32>,
      tpu.vector_store %arg5[%swap3A_547, %swap3A_548], %broadcast_in_dim3A_3 {strides = array<i32>} : memref<32x1000xf32, #tpu.memory_space<vmem>>, vector<16xf32>,
      %swap3A_550 = arith.index_cast %scan3A_528 : i32 to index
      %swap3A_551 = arith.constant 112 : index
      %swap3A_552 = tpu.vector_load %arg5[%swap3A_550, %swap3A_551] {strides = array<i32>} : memref<32x1000xf32, #tpu.memory_space<vmem>>, vector<16xf32>,
      tpu.vector_store %arg5[%swap3A_550, %swap3A_551], %broadcast_in_dim3A_3 {strides = array<i32>} : memref<32x1000xf32, #tpu.memory_space<vmem>>, vector<16xf32>,
      %swap3A_553 = arith.index_cast %scan3A_528 : i32 to index
      %swap3A_554 = arith.constant 128 : index
      %swap3A_555 = tpu.vector_load %arg5[%swap3A_553, %swap3A_554] {strides = array<i32>} : memref<32x1000xf32, #tpu.memory_space<vmem>>, vector<16xf32>,
      tpu.vector_store %arg5[%swap3A_553, %swap3A_554], %broadcast_in_dim3A_3 {strides = array<i32>} : memref<32x1000xf32, #tpu.memory_space<vmem>>, vector<16xf32>,
      %swap3A_556 = arith.index_cast %scan3A_528 : i32 to index
      %swap3A_557 = arith.constant 144 : index
      %swap3A_558 = tpu.vector_load %arg5[%swap3A_556, %swap3A_557] {strides = array<i32>} : memref<32x1000xf32, #tpu.memory_space<vmem>>, vector<16xf32>,
      tpu.vector_store %arg5[%swap3A_556, %swap3A_557], %broadcast_in_dim3A_3 {strides = array<i32>} : memref<32x1000xf32, #tpu.memory_space<vmem>>, vector<16xf32>,
      %swap3A_559 = arith.index_cast %scan3A_528 : i32 to index
      %swap3A_560 = arith.constant 160 : index
      %swap3A_561 = tpu.vector_load %arg5[%swap3A_559, %swap3A_560] {strides = array<i32>} : memref<32x1000xf32, #tpu.memory_space<vmem>>, vector<16xf32>,
      tpu.vector_store %arg5[%swap3A_559, %swap3A_560], %broadcast_in_dim3A_3 {strides = array<i32>} : memref<32x1000xf32, #tpu.memory_space<vmem>>, vector<16xf32>,
      %swap3A_562 = arith.index_cast %scan3A_528 : i32 to index
      %swap3A_563 = arith.constant 176 : index
      %swap3A_564 = tpu.vector_load %arg5[%swap3A_562, %swap3A_563] {strides = array<i32>} : memref<32x1000xf32, #tpu.memory_space<vmem>>, vector<16xf32>,
      tpu.vector_store %arg5[%swap3A_562, %swap3A_563], %broadcast_in_dim3A_3 {strides = array<i32>} : memref<32x1000xf32, #tpu.memory_space<vmem>>, vector<16xf32>,
      %swap3A_565 = arith.index_cast %scan3A_528 : i32 to index
      %swap3A_566 = arith.constant 192 : index
      %swap3A_567 = tpu.vector_load %arg5[%swap3A_565, %swap3A_566] {strides = array<i32>} : memref<32x1000xf32, #tpu.memory_space<vmem>>, vector<16xf32>,
      tpu.vector_store %arg5[%swap3A_565, %swap3A_566], %broadcast_in_dim3A_3 {strides = array<i32>} : memref<32x1000xf32, #tpu.memory_space<vmem>>, vector<16xf32>,
      %swap3A_568 = arith.index_cast %scan3A_528 : i32 to index
      %swap3A_569 = arith.constant 208 : index
      %swap3A_570 = tpu.vector_load %arg5[%swap3A_568, %swap3A_569] {strides = array<i32>} : memref<32x1000xf32, #tpu.memory_space<vmem>>, vector<16xf32>,
      tpu.vector_store %arg5[%swap3A_568, %swap3A_569], %broadcast_in_dim3A_3 {strides = array<i32>} : memref<32x1000xf32, #tpu.memory_space<vmem>>, vector<16xf32>,
      %swap3A_571 = arith.index_cast %scan3A_528 : i32 to index
      %swap3A_572 = arith.constant 224 : index
      %swap3A_573 = tpu.vector_load %arg5[%swap3A_571, %swap3A_572] {strides = array<i32>} : memref<32x1000xf32, #tpu.memory_space<vmem>>, vector<16xf32>,
      tpu.vector_store %arg5[%swap3A_571, %swap3A_572], %broadcast_in_dim3A_3 {strides = array<i32>} : memref<32x1000xf32, #tpu.memory_space<vmem>>, vector<16xf32>,
      %swap3A_574 = arith.index_cast %scan3A_528 : i32 to index
      %swap3A_575 = arith.constant 240 : index
      %swap3A_576 = tpu.vector_load %arg5[%swap3A_574, %swap3A_575] {strides = array<i32>} : memref<32x1000xf32, #tpu.memory_space<vmem>>, vector<16xf32>,
      tpu.vector_store %arg5[%swap3A_574, %swap3A_575], %broadcast_in_dim3A_3 {strides = array<i32>} : memref<32x1000xf32, #tpu.memory_space<vmem>>, vector<16xf32>,
      %swap3A_577 = arith.index_cast %scan3A_528 : i32 to index
      %swap3A_578 = arith.constant 256 : index
      %swap3A_579 = tpu.vector_load %arg5[%swap3A_577, %swap3A_578] {strides = array<i32>} : memref<32x1000xf32, #tpu.memory_space<vmem>>, vector<16xf32>,
      tpu.vector_store %arg5[%swap3A_577, %swap3A_578], %broadcast_in_dim3A_3 {strides = array<i32>} : memref<32x1000xf32, #tpu.memory_space<vmem>>, vector<16xf32>,
      %swap3A_580 = arith.index_cast %scan3A_528 : i32 to index
      %swap3A_581 = arith.constant 272 : index
      %swap3A_582 = tpu.vector_load %arg5[%swap3A_580, %swap3A_581] {strides = array<i32>} : memref<32x1000xf32, #tpu.memory_space<vmem>>, vector<16xf32>,
      tpu.vector_store %arg5[%swap3A_580, %swap3A_581], %broadcast_in_dim3A_3 {strides = array<i32>} : memref<32x1000xf32, #tpu.memory_space<vmem>>, vector<16xf32>,
      %swap3A_583 = arith.index_cast %scan3A_528 : i32 to index
      %swap3A_584 = arith.constant 288 : index
      %swap3A_585 = tpu.vector_load %arg5[%swap3A_583, %swap3A_584] {strides = array<i32>} : memref<32x1000xf32, #tpu.memory_space<vmem>>, vector<16xf32>,
      tpu.vector_store %arg5[%swap3A_583, %swap3A_584], %broadcast_in_dim3A_3 {strides = array<i32>} : memref<32x1000xf32, #tpu.memory_space<vmem>>, vector<16xf32>,
      %swap3A_586 = arith.index_cast %scan3A_528 : i32 to index
      %swap3A_587 = arith.constant 304 : index
      %swap3A_588 = tpu.vector_load %arg5[%swap3A_586, %swap3A_587] {strides = array<i32>} : memref<32x1000xf32, #tpu.memory_space<vmem>>, vector<16xf32>,
      tpu.vector_store %arg5[%swap3A_586, %swap3A_587], %broadcast_in_dim3A_3 {strides = array<i32>} : memref<32x1000xf32, #tpu.memory_space<vmem>>, vector<16xf32>,
      %swap3A_589 = arith.index_cast %scan3A_528 : i32 to index
      %swap3A_590 = arith.constant 320 : index
      %swap3A_591 = tpu.vector_load %arg5[%swap3A_589, %swap3A_590] {strides = array<i32>} : memref<32x1000xf32, #tpu.memory_space<vmem>>, vector<16xf32>,
      tpu.vector_store %arg5[%swap3A_589, %swap3A_590], %broadcast_in_dim3A_3 {strides = array<i32>} : memref<32x1000xf32, #tpu.memory_space<vmem>>, vector<16xf32>,
      %swap3A_592 = arith.index_cast %scan3A_528 : i32 to index
      %swap3A_593 = arith.constant 336 : index
      %swap3A_594 = tpu.vector_load %arg5[%swap3A_592, %swap3A_593] {strides = array<i32>} : memref<32x1000xf32, #tpu.memory_space<vmem>>, vector<16xf32>,
      tpu.vector_store %arg5[%swap3A_592, %swap3A_593], %broadcast_in_dim3A_3 {strides = array<i32>} : memref<32x1000xf32, #tpu.memory_space<vmem>>, vector<16xf32>,
      %swap3A_595 = arith.index_cast %scan3A_528 : i32 to index
      %swap3A_596 = arith.constant 352 : index
      %swap3A_597 = tpu.vector_load %arg5[%swap3A_595, %swap3A_596] {strides = array<i32>} : memref<32x1000xf32, #tpu.memory_space<vmem>>, vector<16xf32>,
      tpu.vector_store %arg5[%swap3A_595, %swap3A_596], %broadcast_in_dim3A_3 {strides = array<i32>} : memref<32x1000xf32, #tpu.memory_space<vmem>>, vector<16xf32>,
      %swap3A_598 = arith.index_cast %scan3A_528 : i32 to index
      %swap3A_599 = arith.constant 368 : index
      %swap3A_600 = tpu.vector_load %arg5[%swap3A_598, %swap3A_599] {strides = array<i32>} : memref<32x1000xf32, #tpu.memory_space<vmem>>, vector<16xf32>,
      tpu.vector_store %arg5[%swap3A_598, %swap3A_599], %broadcast_in_dim3A_3 {strides = array<i32>} : memref<32x1000xf32, #tpu.memory_space<vmem>>, vector<16xf32>,
      %swap3A_601 = arith.index_cast %scan3A_528 : i32 to index
      %swap3A_602 = arith.constant 384 : index
      %swap3A_603 = tpu.vector_load %arg5[%swap3A_601, %swap3A_602] {strides = array<i32>} : memref<32x1000xf32, #tpu.memory_space<vmem>>, vector<16xf32>,
      tpu.vector_store %arg5[%swap3A_601, %swap3A_602], %broadcast_in_dim3A_3 {strides = array<i32>} : memref<32x1000xf32, #tpu.memory_space<vmem>>, vector<16xf32>,
      %swap3A_604 = arith.index_cast %scan3A_528 : i32 to index
      %swap3A_605 = arith.constant 400 : index
      %swap3A_606 = tpu.vector_load %arg5[%swap3A_604, %swap3A_605] {strides = array<i32>} : memref<32x1000xf32, #tpu.memory_space<vmem>>, vector<16xf32>,
      tpu.vector_store %arg5[%swap3A_604, %swap3A_605], %broadcast_in_dim3A_3 {strides = array<i32>} : memref<32x1000xf32, #tpu.memory_space<vmem>>, vector<16xf32>,
      %swap3A_607 = arith.index_cast %scan3A_528 : i32 to index
      %swap3A_608 = arith.constant 416 : index
      %swap3A_609 = tpu.vector_load %arg5[%swap3A_607, %swap3A_608] {strides = array<i32>} : memref<32x1000xf32, #tpu.memory_space<vmem>>, vector<16xf32>,
      tpu.vector_store %arg5[%swap3A_607, %swap3A_608], %broadcast_in_dim3A_3 {strides = array<i32>} : memref<32x1000xf32, #tpu.memory_space<vmem>>, vector<16xf32>,
      %swap3A_610 = arith.index_cast %scan3A_528 : i32 to index
      %swap3A_611 = arith.constant 432 : index
      %swap3A_612 = tpu.vector_load %arg5[%swap3A_610, %swap3A_611] {strides = array<i32>} : memref<32x1000xf32, #tpu.memory_space<vmem>>, vector<16xf32>,
      tpu.vector_store %arg5[%swap3A_610, %swap3A_611], %broadcast_in_dim3A_3 {strides = array<i32>} : memref<32x1000xf32, #tpu.memory_space<vmem>>, vector<16xf32>,
      %swap3A_613 = arith.index_cast %scan3A_528 : i32 to index
      %swap3A_614 = arith.constant 448 : index
      %swap3A_615 = tpu.vector_load %arg5[%swap3A_613, %swap3A_614] {strides = array<i32>} : memref<32x1000xf32, #tpu.memory_space<vmem>>, vector<16xf32>,
      tpu.vector_store %arg5[%swap3A_613, %swap3A_614], %broadcast_in_dim3A_3 {strides = array<i32>} : memref<32x1000xf32, #tpu.memory_space<vmem>>, vector<16xf32>,
      %swap3A_616 = arith.index_cast %scan3A_528 : i32 to index
      %swap3A_617 = arith.constant 464 : index
      %swap3A_618 = tpu.vector_load %arg5[%swap3A_616, %swap3A_617] {strides = array<i32>} : memref<32x1000xf32, #tpu.memory_space<vmem>>, vector<16xf32>,
      tpu.vector_store %arg5[%swap3A_616, %swap3A_617], %broadcast_in_dim3A_3 {strides = array<i32>} : memref<32x1000xf32, #tpu.memory_space<vmem>>, vector<16xf32>,
      %swap3A_619 = arith.index_cast %scan3A_528 : i32 to index
      %swap3A_620 = arith.constant 480 : index
      %swap3A_621 = tpu.vector_load %arg5[%swap3A_619, %swap3A_620] {strides = array<i32>} : memref<32x1000xf32, #tpu.memory_space<vmem>>, vector<16xf32>,
      tpu.vector_store %arg5[%swap3A_619, %swap3A_620], %broadcast_in_dim3A_3 {strides = array<i32>} : memref<32x1000xf32, #tpu.memory_space<vmem>>, vector<16xf32>,
      %swap3A_622 = arith.index_cast %scan3A_528 : i32 to index
      %swap3A_623 = arith.constant 496 : index
      %swap3A_624 = tpu.vector_load %arg5[%swap3A_622, %swap3A_623] {strides = array<i32>} : memref<32x1000xf32, #tpu.memory_space<vmem>>, vector<16xf32>,
      tpu.vector_store %arg5[%swap3A_622, %swap3A_623], %broadcast_in_dim3A_3 {strides = array<i32>} : memref<32x1000xf32, #tpu.memory_space<vmem>>, vector<16xf32>,
      %swap3A_625 = arith.index_cast %scan3A_528 : i32 to index
      %swap3A_626 = arith.constant 512 : index
      %swap3A_627 = tpu.vector_load %arg5[%swap3A_625, %swap3A_626] {strides = array<i32>} : memref<32x1000xf32, #tpu.memory_space<vmem>>, vector<16xf32>,
      tpu.vector_store %arg5[%swap3A_625, %swap3A_626], %broadcast_in_dim3A_3 {strides = array<i32>} : memref<32x1000xf32, #tpu.memory_space<vmem>>, vector<16xf32>,
      %swap3A_628 = arith.index_cast %scan3A_528 : i32 to index
      %swap3A_629 = arith.constant 528 : index
      %swap3A_630 = tpu.vector_load %arg5[%swap3A_628, %swap3A_629] {strides = array<i32>} : memref<32x1000xf32, #tpu.memory_space<vmem>>, vector<16xf32>,
      tpu.vector_store %arg5[%swap3A_628, %swap3A_629], %broadcast_in_dim3A_3 {strides = array<i32>} : memref<32x1000xf32, #tpu.memory_space<vmem>>, vector<16xf32>,
      %swap3A_631 = arith.index_cast %scan3A_528 : i32 to index
      %swap3A_632 = arith.constant 544 : index
      %swap3A_633 = tpu.vector_load %arg5[%swap3A_631, %swap3A_632] {strides = array<i32>} : memref<32x1000xf32, #tpu.memory_space<vmem>>, vector<16xf32>,
      tpu.vector_store %arg5[%swap3A_631, %swap3A_632], %broadcast_in_dim3A_3 {strides = array<i32>} : memref<32x1000xf32, #tpu.memory_space<vmem>>, vector<16xf32>,
      %swap3A_634 = arith.index_cast %scan3A_528 : i32 to index
      %swap3A_635 = arith.constant 560 : index
      %swap3A_636 = tpu.vector_load %arg5[%swap3A_634, %swap3A_635] {strides = array<i32>} : memref<32x1000xf32, #tpu.memory_space<vmem>>, vector<16xf32>,
      tpu.vector_store %arg5[%swap3A_634, %swap3A_635], %broadcast_in_dim3A_3 {strides = array<i32>} : memref<32x1000xf32, #tpu.memory_space<vmem>>, vector<16xf32>,
      %swap3A_637 = arith.index_cast %scan3A_528 : i32 to index
      %swap3A_638 = arith.constant 576 : index
      %swap3A_639 = tpu.vector_load %arg5[%swap3A_637, %swap3A_638] {strides = array<i32>} : memref<32x1000xf32, #tpu.memory_space<vmem>>, vector<16xf32>,
      tpu.vector_store %arg5[%swap3A_637, %swap3A_638], %broadcast_in_dim3A_3 {strides = array<i32>} : memref<32x1000xf32, #tpu.memory_space<vmem>>, vector<16xf32>,
      %swap3A_640 = arith.index_cast %scan3A_528 : i32 to index
      %swap3A_641 = arith.constant 592 : index
      %swap3A_642 = tpu.vector_load %arg5[%swap3A_640, %swap3A_641] {strides = array<i32>} : memref<32x1000xf32, #tpu.memory_space<vmem>>, vector<16xf32>,
      tpu.vector_store %arg5[%swap3A_640, %swap3A_641], %broadcast_in_dim3A_3 {strides = array<i32>} : memref<32x1000xf32, #tpu.memory_space<vmem>>, vector<16xf32>,
      %swap3A_643 = arith.index_cast %scan3A_528 : i32 to index
      %swap3A_644 = arith.constant 608 : index
      %swap3A_645 = tpu.vector_load %arg5[%swap3A_643, %swap3A_644] {strides = array<i32>} : memref<32x1000xf32, #tpu.memory_space<vmem>>, vector<16xf32>,
      tpu.vector_store %arg5[%swap3A_643, %swap3A_644], %broadcast_in_dim3A_3 {strides = array<i32>} : memref<32x1000xf32, #tpu.memory_space<vmem>>, vector<16xf32>,
      %swap3A_646 = arith.index_cast %scan3A_528 : i32 to index
      %swap3A_647 = arith.constant 624 : index
      %swap3A_648 = tpu.vector_load %arg5[%swap3A_646, %swap3A_647] {strides = array<i32>} : memref<32x1000xf32, #tpu.memory_space<vmem>>, vector<16xf32>,
      tpu.vector_store %arg5[%swap3A_646, %swap3A_647], %broadcast_in_dim3A_3 {strides = array<i32>} : memref<32x1000xf32, #tpu.memory_space<vmem>>, vector<16xf32>,
      %swap3A_649 = arith.index_cast %scan3A_528 : i32 to index
      %swap3A_650 = arith.constant 640 : index
      %swap3A_651 = tpu.vector_load %arg5[%swap3A_649, %swap3A_650] {strides = array<i32>} : memref<32x1000xf32, #tpu.memory_space<vmem>>, vector<16xf32>,
      tpu.vector_store %arg5[%swap3A_649, %swap3A_650], %broadcast_in_dim3A_3 {strides = array<i32>} : memref<32x1000xf32, #tpu.memory_space<vmem>>, vector<16xf32>,
      %swap3A_652 = arith.index_cast %scan3A_528 : i32 to index
      %swap3A_653 = arith.constant 656 : index
      %swap3A_654 = tpu.vector_load %arg5[%swap3A_652, %swap3A_653] {strides = array<i32>} : memref<32x1000xf32, #tpu.memory_space<vmem>>, vector<16xf32>,
      tpu.vector_store %arg5[%swap3A_652, %swap3A_653], %broadcast_in_dim3A_3 {strides = array<i32>} : memref<32x1000xf32, #tpu.memory_space<vmem>>, vector<16xf32>,
      %swap3A_655 = arith.index_cast %scan3A_528 : i32 to index
      %swap3A_656 = arith.constant 672 : index
      %swap3A_657 = tpu.vector_load %arg5[%swap3A_655, %swap3A_656] {strides = array<i32>} : memref<32x1000xf32, #tpu.memory_space<vmem>>, vector<16xf32>,
      tpu.vector_store %arg5[%swap3A_655, %swap3A_656], %broadcast_in_dim3A_3 {strides = array<i32>} : memref<32x1000xf32, #tpu.memory_space<vmem>>, vector<16xf32>,
      %swap3A_658 = arith.index_cast %scan3A_528 : i32 to index
      %swap3A_659 = arith.constant 688 : index
      %swap3A_660 = tpu.vector_load %arg5[%swap3A_658, %swap3A_659] {strides = array<i32>} : memref<32x1000xf32, #tpu.memory_space<vmem>>, vector<16xf32>,
      tpu.vector_store %arg5[%swap3A_658, %swap3A_659], %broadcast_in_dim3A_3 {strides = array<i32>} : memref<32x1000xf32, #tpu.memory_space<vmem>>, vector<16xf32>,
      %swap3A_661 = arith.index_cast %scan3A_528 : i32 to index
      %swap3A_662 = arith.constant 704 : index
      %swap3A_663 = tpu.vector_load %arg5[%swap3A_661, %swap3A_662] {strides = array<i32>} : memref<32x1000xf32, #tpu.memory_space<vmem>>, vector<16xf32>,
      tpu.vector_store %arg5[%swap3A_661, %swap3A_662], %broadcast_in_dim3A_3 {strides = array<i32>} : memref<32x1000xf32, #tpu.memory_space<vmem>>, vector<16xf32>,
      %swap3A_664 = arith.index_cast %scan3A_528 : i32 to index
      %swap3A_665 = arith.constant 720 : index
      %swap3A_666 = tpu.vector_load %arg5[%swap3A_664, %swap3A_665] {strides = array<i32>} : memref<32x1000xf32, #tpu.memory_space<vmem>>, vector<16xf32>,
      tpu.vector_store %arg5[%swap3A_664, %swap3A_665], %broadcast_in_dim3A_3 {strides = array<i32>} : memref<32x1000xf32, #tpu.memory_space<vmem>>, vector<16xf32>,
      %swap3A_667 = arith.index_cast %scan3A_528 : i32 to index
      %swap3A_668 = arith.constant 736 : index
      %swap3A_669 = tpu.vector_load %arg5[%swap3A_667, %swap3A_668] {strides = array<i32>} : memref<32x1000xf32, #tpu.memory_space<vmem>>, vector<16xf32>,
      tpu.vector_store %arg5[%swap3A_667, %swap3A_668], %broadcast_in_dim3A_3 {strides = array<i32>} : memref<32x1000xf32, #tpu.memory_space<vmem>>, vector<16xf32>,
      %swap3A_670 = arith.index_cast %scan3A_528 : i32 to index
      %swap3A_671 = arith.constant 752 : index
      %swap3A_672 = tpu.vector_load %arg5[%swap3A_670, %swap3A_671] {strides = array<i32>} : memref<32x1000xf32, #tpu.memory_space<vmem>>, vector<16xf32>,
      tpu.vector_store %arg5[%swap3A_670, %swap3A_671], %broadcast_in_dim3A_3 {strides = array<i32>} : memref<32x1000xf32, #tpu.memory_space<vmem>>, vector<16xf32>,
      %swap3A_673 = arith.index_cast %scan3A_528 : i32 to index
      %swap3A_674 = arith.constant 768 : index
      %swap3A_675 = tpu.vector_load %arg5[%swap3A_673, %swap3A_674] {strides = array<i32>} : memref<32x1000xf32, #tpu.memory_space<vmem>>, vector<16xf32>,
      tpu.vector_store %arg5[%swap3A_673, %swap3A_674], %broadcast_in_dim3A_3 {strides = array<i32>} : memref<32x1000xf32, #tpu.memory_space<vmem>>, vector<16xf32>,
      %swap3A_676 = arith.index_cast %scan3A_528 : i32 to index
      %swap3A_677 = arith.constant 784 : index
      %swap3A_678 = tpu.vector_load %arg5[%swap3A_676, %swap3A_677] {strides = array<i32>} : memref<32x1000xf32, #tpu.memory_space<vmem>>, vector<16xf32>,
      tpu.vector_store %arg5[%swap3A_676, %swap3A_677], %broadcast_in_dim3A_3 {strides = array<i32>} : memref<32x1000xf32, #tpu.memory_space<vmem>>, vector<16xf32>,
      %swap3A_679 = arith.index_cast %scan3A_528 : i32 to index
      %swap3A_680 = arith.constant 800 : index
      %swap3A_681 = tpu.vector_load %arg5[%swap3A_679, %swap3A_680] {strides = array<i32>} : memref<32x1000xf32, #tpu.memory_space<vmem>>, vector<16xf32>,
      tpu.vector_store %arg5[%swap3A_679, %swap3A_680], %broadcast_in_dim3A_3 {strides = array<i32>} : memref<32x1000xf32, #tpu.memory_space<vmem>>, vector<16xf32>,
      %swap3A_682 = arith.index_cast %scan3A_528 : i32 to index
      %swap3A_683 = arith.constant 816 : index
      %swap3A_684 = tpu.vector_load %arg5[%swap3A_682, %swap3A_683] {strides = array<i32>} : memref<32x1000xf32, #tpu.memory_space<vmem>>, vector<16xf32>,
      tpu.vector_store %arg5[%swap3A_682, %swap3A_683], %broadcast_in_dim3A_3 {strides = array<i32>} : memref<32x1000xf32, #tpu.memory_space<vmem>>, vector<16xf32>,
      %swap3A_685 = arith.index_cast %scan3A_528 : i32 to index
      %swap3A_686 = arith.constant 832 : index
      %swap3A_687 = tpu.vector_load %arg5[%swap3A_685, %swap3A_686] {strides = array<i32>} : memref<32x1000xf32, #tpu.memory_space<vmem>>, vector<16xf32>,
      tpu.vector_store %arg5[%swap3A_685, %swap3A_686], %broadcast_in_dim3A_3 {strides = array<i32>} : memref<32x1000xf32, #tpu.memory_space<vmem>>, vector<16xf32>,
      %swap3A_688 = arith.index_cast %scan3A_528 : i32 to index
      %swap3A_689 = arith.constant 848 : index
      %swap3A_690 = tpu.vector_load %arg5[%swap3A_688, %swap3A_689] {strides = array<i32>} : memref<32x1000xf32, #tpu.memory_space<vmem>>, vector<16xf32>,
      tpu.vector_store %arg5[%swap3A_688, %swap3A_689], %broadcast_in_dim3A_3 {strides = array<i32>} : memref<32x1000xf32, #tpu.memory_space<vmem>>, vector<16xf32>,
      %swap3A_691 = arith.index_cast %scan3A_528 : i32 to index
      %swap3A_692 = arith.constant 864 : index
      %swap3A_693 = tpu.vector_load %arg5[%swap3A_691, %swap3A_692] {strides = array<i32>} : memref<32x1000xf32, #tpu.memory_space<vmem>>, vector<16xf32>,
      tpu.vector_store %arg5[%swap3A_691, %swap3A_692], %broadcast_in_dim3A_3 {strides = array<i32>} : memref<32x1000xf32, #tpu.memory_space<vmem>>, vector<16xf32>,
      %swap3A_694 = arith.index_cast %scan3A_528 : i32 to index
      %swap3A_695 = arith.constant 880 : index
      %swap3A_696 = tpu.vector_load %arg5[%swap3A_694, %swap3A_695] {strides = array<i32>} : memref<32x1000xf32, #tpu.memory_space<vmem>>, vector<16xf32>,
      tpu.vector_store %arg5[%swap3A_694, %swap3A_695], %broadcast_in_dim3A_3 {strides = array<i32>} : memref<32x1000xf32, #tpu.memory_space<vmem>>, vector<16xf32>,
      %swap3A_697 = arith.index_cast %scan3A_528 : i32 to index
      %swap3A_698 = arith.constant 896 : index
      %swap3A_699 = tpu.vector_load %arg5[%swap3A_697, %swap3A_698] {strides = array<i32>} : memref<32x1000xf32, #tpu.memory_space<vmem>>, vector<16xf32>,
      tpu.vector_store %arg5[%swap3A_697, %swap3A_698], %broadcast_in_dim3A_3 {strides = array<i32>} : memref<32x1000xf32, #tpu.memory_space<vmem>>, vector<16xf32>,
      %swap3A_700 = arith.index_cast %scan3A_528 : i32 to index
      %swap3A_701 = arith.constant 912 : index
      %swap3A_702 = tpu.vector_load %arg5[%swap3A_700, %swap3A_701] {strides = array<i32>} : memref<32x1000xf32, #tpu.memory_space<vmem>>, vector<16xf32>,
      tpu.vector_store %arg5[%swap3A_700, %swap3A_701], %broadcast_in_dim3A_3 {strides = array<i32>} : memref<32x1000xf32, #tpu.memory_space<vmem>>, vector<16xf32>,
      %swap3A_703 = arith.index_cast %scan3A_528 : i32 to index
      %swap3A_704 = arith.constant 928 : index
      %swap3A_705 = tpu.vector_load %arg5[%swap3A_703, %swap3A_704] {strides = array<i32>} : memref<32x1000xf32, #tpu.memory_space<vmem>>, vector<16xf32>,
      tpu.vector_store %arg5[%swap3A_703, %swap3A_704], %broadcast_in_dim3A_3 {strides = array<i32>} : memref<32x1000xf32, #tpu.memory_space<vmem>>, vector<16xf32>,
      %swap3A_706 = arith.index_cast %scan3A_528 : i32 to index
      %swap3A_707 = arith.constant 944 : index
      %swap3A_708 = tpu.vector_load %arg5[%swap3A_706, %swap3A_707] {strides = array<i32>} : memref<32x1000xf32, #tpu.memory_space<vmem>>, vector<16xf32>,
      tpu.vector_store %arg5[%swap3A_706, %swap3A_707], %broadcast_in_dim3A_3 {strides = array<i32>} : memref<32x1000xf32, #tpu.memory_space<vmem>>, vector<16xf32>,
      %swap3A_709 = arith.index_cast %scan3A_528 : i32 to index
      %swap3A_710 = arith.constant 960 : index
      %swap3A_711 = tpu.vector_load %arg5[%swap3A_709, %swap3A_710] {strides = array<i32>} : memref<32x1000xf32, #tpu.memory_space<vmem>>, vector<16xf32>,
      tpu.vector_store %arg5[%swap3A_709, %swap3A_710], %broadcast_in_dim3A_3 {strides = array<i32>} : memref<32x1000xf32, #tpu.memory_space<vmem>>, vector<16xf32>,
      %swap3A_712 = arith.index_cast %scan3A_528 : i32 to index
      %swap3A_713 = arith.constant 976 : index
      %swap3A_714 = tpu.vector_load %arg5[%swap3A_712, %swap3A_713] {strides = array<i32>} : memref<32x1000xf32, #tpu.memory_space<vmem>>, vector<16xf32>,
      tpu.vector_store %arg5[%swap3A_712, %swap3A_713], %broadcast_in_dim3A_3 {strides = array<i32>} : memref<32x1000xf32, #tpu.memory_space<vmem>>, vector<16xf32>,
      %swap3A_715 = arith.index_cast %scan3A_528 : i32 to index
      %swap3A_716 = arith.constant 984 : index
      %swap3A_717 = tpu.vector_load %arg5[%swap3A_715, %swap3A_716] {strides = array<i32>} : memref<32x1000xf32, #tpu.memory_space<vmem>>, vector<16xf32>,
      tpu.vector_store %arg5[%swap3A_715, %swap3A_716], %broadcast_in_dim3A_3 {strides = array<i32>} : memref<32x1000xf32, #tpu.memory_space<vmem>>, vector<16xf32>,
      %swap3A_718 = arith.index_cast %scan3A_528 : i32 to index
      %swap3A_719 = arith.constant 0 : index
      %swap3A_720 = tpu.vector_load %arg6[%swap3A_718, %swap3A_719] {strides = array<i32>} : memref<32x1000xf32, #tpu.memory_space<vmem>>, vector<16xf32>,
      tpu.vector_store %arg6[%swap3A_718, %swap3A_719], %broadcast_in_dim3A_3 {strides = array<i32>} : memref<32x1000xf32, #tpu.memory_space<vmem>>, vector<16xf32>,
      %swap3A_721 = arith.index_cast %scan3A_528 : i32 to index
      %swap3A_722 = arith.constant 16 : index
      %swap3A_723 = tpu.vector_load %arg6[%swap3A_721, %swap3A_722] {strides = array<i32>} : memref<32x1000xf32, #tpu.memory_space<vmem>>, vector<16xf32>,
      tpu.vector_store %arg6[%swap3A_721, %swap3A_722], %broadcast_in_dim3A_3 {strides = array<i32>} : memref<32x1000xf32, #tpu.memory_space<vmem>>, vector<16xf32>,
      %swap3A_724 = arith.index_cast %scan3A_528 : i32 to index
      %swap3A_725 = arith.constant 32 : index
      %swap3A_726 = tpu.vector_load %arg6[%swap3A_724, %swap3A_725] {strides = array<i32>} : memref<32x1000xf32, #tpu.memory_space<vmem>>, vector<16xf32>,
      tpu.vector_store %arg6[%swap3A_724, %swap3A_725], %broadcast_in_dim3A_3 {strides = array<i32>} : memref<32x1000xf32, #tpu.memory_space<vmem>>, vector<16xf32>,
      %swap3A_727 = arith.index_cast %scan3A_528 : i32 to index
      %swap3A_728 = arith.constant 48 : index
      %swap3A_729 = tpu.vector_load %arg6[%swap3A_727, %swap3A_728] {strides = array<i32>} : memref<32x1000xf32, #tpu.memory_space<vmem>>, vector<16xf32>,
      tpu.vector_store %arg6[%swap3A_727, %swap3A_728], %broadcast_in_dim3A_3 {strides = array<i32>} : memref<32x1000xf32, #tpu.memory_space<vmem>>, vector<16xf32>,
      %swap3A_730 = arith.index_cast %scan3A_528 : i32 to index
      %swap3A_731 = arith.constant 64 : index
      %swap3A_732 = tpu.vector_load %arg6[%swap3A_730, %swap3A_731] {strides = array<i32>} : memref<32x1000xf32, #tpu.memory_space<vmem>>, vector<16xf32>,
      tpu.vector_store %arg6[%swap3A_730, %swap3A_731], %broadcast_in_dim3A_3 {strides = array<i32>} : memref<32x1000xf32, #tpu.memory_space<vmem>>, vector<16xf32>,
      %swap3A_733 = arith.index_cast %scan3A_528 : i32 to index
      %swap3A_734 = arith.constant 80 : index
      %swap3A_735 = tpu.vector_load %arg6[%swap3A_733, %swap3A_734] {strides = array<i32>} : memref<32x1000xf32, #tpu.memory_space<vmem>>, vector<16xf32>,
      tpu.vector_store %arg6[%swap3A_733, %swap3A_734], %broadcast_in_dim3A_3 {strides = array<i32>} : memref<32x1000xf32, #tpu.memory_space<vmem>>, vector<16xf32>,
      %swap3A_736 = arith.index_cast %scan3A_528 : i32 to index
      %swap3A_737 = arith.constant 96 : index
      %swap3A_738 = tpu.vector_load %arg6[%swap3A_736, %swap3A_737] {strides = array<i32>} : memref<32x1000xf32, #tpu.memory_space<vmem>>, vector<16xf32>,
      tpu.vector_store %arg6[%swap3A_736, %swap3A_737], %broadcast_in_dim3A_3 {strides = array<i32>} : memref<32x1000xf32, #tpu.memory_space<vmem>>, vector<16xf32>,
      %swap3A_739 = arith.index_cast %scan3A_528 : i32 to index
      %swap3A_740 = arith.constant 112 : index
      %swap3A_741 = tpu.vector_load %arg6[%swap3A_739, %swap3A_740] {strides = array<i32>} : memref<32x1000xf32, #tpu.memory_space<vmem>>, vector<16xf32>,
      tpu.vector_store %arg6[%swap3A_739, %swap3A_740], %broadcast_in_dim3A_3 {strides = array<i32>} : memref<32x1000xf32, #tpu.memory_space<vmem>>, vector<16xf32>,
      %swap3A_742 = arith.index_cast %scan3A_528 : i32 to index
      %swap3A_743 = arith.constant 128 : index
      %swap3A_744 = tpu.vector_load %arg6[%swap3A_742, %swap3A_743] {strides = array<i32>} : memref<32x1000xf32, #tpu.memory_space<vmem>>, vector<16xf32>,
      tpu.vector_store %arg6[%swap3A_742, %swap3A_743], %broadcast_in_dim3A_3 {strides = array<i32>} : memref<32x1000xf32, #tpu.memory_space<vmem>>, vector<16xf32>,
      %swap3A_745 = arith.index_cast %scan3A_528 : i32 to index
      %swap3A_746 = arith.constant 144 : index
      %swap3A_747 = tpu.vector_load %arg6[%swap3A_745, %swap3A_746] {strides = array<i32>} : memref<32x1000xf32, #tpu.memory_space<vmem>>, vector<16xf32>,
      tpu.vector_store %arg6[%swap3A_745, %swap3A_746], %broadcast_in_dim3A_3 {strides = array<i32>} : memref<32x1000xf32, #tpu.memory_space<vmem>>, vector<16xf32>,
      %swap3A_748 = arith.index_cast %scan3A_528 : i32 to index
      %swap3A_749 = arith.constant 160 : index
      %swap3A_750 = tpu.vector_load %arg6[%swap3A_748, %swap3A_749] {strides = array<i32>} : memref<32x1000xf32, #tpu.memory_space<vmem>>, vector<16xf32>,
      tpu.vector_store %arg6[%swap3A_748, %swap3A_749], %broadcast_in_dim3A_3 {strides = array<i32>} : memref<32x1000xf32, #tpu.memory_space<vmem>>, vector<16xf32>,
      %swap3A_751 = arith.index_cast %scan3A_528 : i32 to index
      %swap3A_752 = arith.constant 176 : index
      %swap3A_753 = tpu.vector_load %arg6[%swap3A_751, %swap3A_752] {strides = array<i32>} : memref<32x1000xf32, #tpu.memory_space<vmem>>, vector<16xf32>,
      tpu.vector_store %arg6[%swap3A_751, %swap3A_752], %broadcast_in_dim3A_3 {strides = array<i32>} : memref<32x1000xf32, #tpu.memory_space<vmem>>, vector<16xf32>,
      %swap3A_754 = arith.index_cast %scan3A_528 : i32 to index
      %swap3A_755 = arith.constant 192 : index
      %swap3A_756 = tpu.vector_load %arg6[%swap3A_754, %swap3A_755] {strides = array<i32>} : memref<32x1000xf32, #tpu.memory_space<vmem>>, vector<16xf32>,
      tpu.vector_store %arg6[%swap3A_754, %swap3A_755], %broadcast_in_dim3A_3 {strides = array<i32>} : memref<32x1000xf32, #tpu.memory_space<vmem>>, vector<16xf32>,
      %swap3A_757 = arith.index_cast %scan3A_528 : i32 to index
      %swap3A_758 = arith.constant 208 : index
      %swap3A_759 = tpu.vector_load %arg6[%swap3A_757, %swap3A_758] {strides = array<i32>} : memref<32x1000xf32, #tpu.memory_space<vmem>>, vector<16xf32>,
      tpu.vector_store %arg6[%swap3A_757, %swap3A_758], %broadcast_in_dim3A_3 {strides = array<i32>} : memref<32x1000xf32, #tpu.memory_space<vmem>>, vector<16xf32>,
      %swap3A_760 = arith.index_cast %scan3A_528 : i32 to index
      %swap3A_761 = arith.constant 224 : index
      %swap3A_762 = tpu.vector_load %arg6[%swap3A_760, %swap3A_761] {strides = array<i32>} : memref<32x1000xf32, #tpu.memory_space<vmem>>, vector<16xf32>,
      tpu.vector_store %arg6[%swap3A_760, %swap3A_761], %broadcast_in_dim3A_3 {strides = array<i32>} : memref<32x1000xf32, #tpu.memory_space<vmem>>, vector<16xf32>,
      %swap3A_763 = arith.index_cast %scan3A_528 : i32 to index
      %swap3A_764 = arith.constant 240 : index
      %swap3A_765 = tpu.vector_load %arg6[%swap3A_763, %swap3A_764] {strides = array<i32>} : memref<32x1000xf32, #tpu.memory_space<vmem>>, vector<16xf32>,
      tpu.vector_store %arg6[%swap3A_763, %swap3A_764], %broadcast_in_dim3A_3 {strides = array<i32>} : memref<32x1000xf32, #tpu.memory_space<vmem>>, vector<16xf32>,
      %swap3A_766 = arith.index_cast %scan3A_528 : i32 to index
      %swap3A_767 = arith.constant 256 : index
      %swap3A_768 = tpu.vector_load %arg6[%swap3A_766, %swap3A_767] {strides = array<i32>} : memref<32x1000xf32, #tpu.memory_space<vmem>>, vector<16xf32>,
      tpu.vector_store %arg6[%swap3A_766, %swap3A_767], %broadcast_in_dim3A_3 {strides = array<i32>} : memref<32x1000xf32, #tpu.memory_space<vmem>>, vector<16xf32>,
      %swap3A_769 = arith.index_cast %scan3A_528 : i32 to index
      %swap3A_770 = arith.constant 272 : index
      %swap3A_771 = tpu.vector_load %arg6[%swap3A_769, %swap3A_770] {strides = array<i32>} : memref<32x1000xf32, #tpu.memory_space<vmem>>, vector<16xf32>,
      tpu.vector_store %arg6[%swap3A_769, %swap3A_770], %broadcast_in_dim3A_3 {strides = array<i32>} : memref<32x1000xf32, #tpu.memory_space<vmem>>, vector<16xf32>,
      %swap3A_772 = arith.index_cast %scan3A_528 : i32 to index
      %swap3A_773 = arith.constant 288 : index
      %swap3A_774 = tpu.vector_load %arg6[%swap3A_772, %swap3A_773] {strides = array<i32>} : memref<32x1000xf32, #tpu.memory_space<vmem>>, vector<16xf32>,
      tpu.vector_store %arg6[%swap3A_772, %swap3A_773], %broadcast_in_dim3A_3 {strides = array<i32>} : memref<32x1000xf32, #tpu.memory_space<vmem>>, vector<16xf32>,
      %swap3A_775 = arith.index_cast %scan3A_528 : i32 to index
      %swap3A_776 = arith.constant 304 : index
      %swap3A_777 = tpu.vector_load %arg6[%swap3A_775, %swap3A_776] {strides = array<i32>} : memref<32x1000xf32, #tpu.memory_space<vmem>>, vector<16xf32>,
      tpu.vector_store %arg6[%swap3A_775, %swap3A_776], %broadcast_in_dim3A_3 {strides = array<i32>} : memref<32x1000xf32, #tpu.memory_space<vmem>>, vector<16xf32>,
      %swap3A_778 = arith.index_cast %scan3A_528 : i32 to index
      %swap3A_779 = arith.constant 320 : index
      %swap3A_780 = tpu.vector_load %arg6[%swap3A_778, %swap3A_779] {strides = array<i32>} : memref<32x1000xf32, #tpu.memory_space<vmem>>, vector<16xf32>,
      tpu.vector_store %arg6[%swap3A_778, %swap3A_779], %broadcast_in_dim3A_3 {strides = array<i32>} : memref<32x1000xf32, #tpu.memory_space<vmem>>, vector<16xf32>,
      %swap3A_781 = arith.index_cast %scan3A_528 : i32 to index
      %swap3A_782 = arith.constant 336 : index
      %swap3A_783 = tpu.vector_load %arg6[%swap3A_781, %swap3A_782] {strides = array<i32>} : memref<32x1000xf32, #tpu.memory_space<vmem>>, vector<16xf32>,
      tpu.vector_store %arg6[%swap3A_781, %swap3A_782], %broadcast_in_dim3A_3 {strides = array<i32>} : memref<32x1000xf32, #tpu.memory_space<vmem>>, vector<16xf32>,
      %swap3A_784 = arith.index_cast %scan3A_528 : i32 to index
      %swap3A_785 = arith.constant 352 : index
      %swap3A_786 = tpu.vector_load %arg6[%swap3A_784, %swap3A_785] {strides = array<i32>} : memref<32x1000xf32, #tpu.memory_space<vmem>>, vector<16xf32>,
      tpu.vector_store %arg6[%swap3A_784, %swap3A_785], %broadcast_in_dim3A_3 {strides = array<i32>} : memref<32x1000xf32, #tpu.memory_space<vmem>>, vector<16xf32>,
      %swap3A_787 = arith.index_cast %scan3A_528 : i32 to index
      %swap3A_788 = arith.constant 368 : index
      %swap3A_789 = tpu.vector_load %arg6[%swap3A_787, %swap3A_788] {strides = array<i32>} : memref<32x1000xf32, #tpu.memory_space<vmem>>, vector<16xf32>,
      tpu.vector_store %arg6[%swap3A_787, %swap3A_788], %broadcast_in_dim3A_3 {strides = array<i32>} : memref<32x1000xf32, #tpu.memory_space<vmem>>, vector<16xf32>,
      %swap3A_790 = arith.index_cast %scan3A_528 : i32 to index
      %swap3A_791 = arith.constant 384 : index
      %swap3A_792 = tpu.vector_load %arg6[%swap3A_790, %swap3A_791] {strides = array<i32>} : memref<32x1000xf32, #tpu.memory_space<vmem>>, vector<16xf32>,
      tpu.vector_store %arg6[%swap3A_790, %swap3A_791], %broadcast_in_dim3A_3 {strides = array<i32>} : memref<32x1000xf32, #tpu.memory_space<vmem>>, vector<16xf32>,
      %swap3A_793 = arith.index_cast %scan3A_528 : i32 to index
      %swap3A_794 = arith.constant 400 : index
      %swap3A_795 = tpu.vector_load %arg6[%swap3A_793, %swap3A_794] {strides = array<i32>} : memref<32x1000xf32, #tpu.memory_space<vmem>>, vector<16xf32>,
      tpu.vector_store %arg6[%swap3A_793, %swap3A_794], %broadcast_in_dim3A_3 {strides = array<i32>} : memref<32x1000xf32, #tpu.memory_space<vmem>>, vector<16xf32>,
      %swap3A_796 = arith.index_cast %scan3A_528 : i32 to index
      %swap3A_797 = arith.constant 416 : index
      %swap3A_798 = tpu.vector_load %arg6[%swap3A_796, %swap3A_797] {strides = array<i32>} : memref<32x1000xf32, #tpu.memory_space<vmem>>, vector<16xf32>,
      tpu.vector_store %arg6[%swap3A_796, %swap3A_797], %broadcast_in_dim3A_3 {strides = array<i32>} : memref<32x1000xf32, #tpu.memory_space<vmem>>, vector<16xf32>,
      %swap3A_799 = arith.index_cast %scan3A_528 : i32 to index
      %swap3A_800 = arith.constant 432 : index
      %swap3A_801 = tpu.vector_load %arg6[%swap3A_799, %swap3A_800] {strides = array<i32>} : memref<32x1000xf32, #tpu.memory_space<vmem>>, vector<16xf32>,
      tpu.vector_store %arg6[%swap3A_799, %swap3A_800], %broadcast_in_dim3A_3 {strides = array<i32>} : memref<32x1000xf32, #tpu.memory_space<vmem>>, vector<16xf32>,
      %swap3A_802 = arith.index_cast %scan3A_528 : i32 to index
      %swap3A_803 = arith.constant 448 : index
      %swap3A_804 = tpu.vector_load %arg6[%swap3A_802, %swap3A_803] {strides = array<i32>} : memref<32x1000xf32, #tpu.memory_space<vmem>>, vector<16xf32>,
      tpu.vector_store %arg6[%swap3A_802, %swap3A_803], %broadcast_in_dim3A_3 {strides = array<i32>} : memref<32x1000xf32, #tpu.memory_space<vmem>>, vector<16xf32>,
      %swap3A_805 = arith.index_cast %scan3A_528 : i32 to index
      %swap3A_806 = arith.constant 464 : index
      %swap3A_807 = tpu.vector_load %arg6[%swap3A_805, %swap3A_806] {strides = array<i32>} : memref<32x1000xf32, #tpu.memory_space<vmem>>, vector<16xf32>,
      tpu.vector_store %arg6[%swap3A_805, %swap3A_806], %broadcast_in_dim3A_3 {strides = array<i32>} : memref<32x1000xf32, #tpu.memory_space<vmem>>, vector<16xf32>,
      %swap3A_808 = arith.index_cast %scan3A_528 : i32 to index
      %swap3A_809 = arith.constant 480 : index
      %swap3A_810 = tpu.vector_load %arg6[%swap3A_808, %swap3A_809] {strides = array<i32>} : memref<32x1000xf32, #tpu.memory_space<vmem>>, vector<16xf32>,
      tpu.vector_store %arg6[%swap3A_808, %swap3A_809], %broadcast_in_dim3A_3 {strides = array<i32>} : memref<32x1000xf32, #tpu.memory_space<vmem>>, vector<16xf32>,
      %swap3A_811 = arith.index_cast %scan3A_528 : i32 to index
      %swap3A_812 = arith.constant 496 : index
      %swap3A_813 = tpu.vector_load %arg6[%swap3A_811, %swap3A_812] {strides = array<i32>} : memref<32x1000xf32, #tpu.memory_space<vmem>>, vector<16xf32>,
      tpu.vector_store %arg6[%swap3A_811, %swap3A_812], %broadcast_in_dim3A_3 {strides = array<i32>} : memref<32x1000xf32, #tpu.memory_space<vmem>>, vector<16xf32>,
      %swap3A_814 = arith.index_cast %scan3A_528 : i32 to index
      %swap3A_815 = arith.constant 512 : index
      %swap3A_816 = tpu.vector_load %arg6[%swap3A_814, %swap3A_815] {strides = array<i32>} : memref<32x1000xf32, #tpu.memory_space<vmem>>, vector<16xf32>,
      tpu.vector_store %arg6[%swap3A_814, %swap3A_815], %broadcast_in_dim3A_3 {strides = array<i32>} : memref<32x1000xf32, #tpu.memory_space<vmem>>, vector<16xf32>,
      %swap3A_817 = arith.index_cast %scan3A_528 : i32 to index
      %swap3A_818 = arith.constant 528 : index
      %swap3A_819 = tpu.vector_load %arg6[%swap3A_817, %swap3A_818] {strides = array<i32>} : memref<32x1000xf32, #tpu.memory_space<vmem>>, vector<16xf32>,
      tpu.vector_store %arg6[%swap3A_817, %swap3A_818], %broadcast_in_dim3A_3 {strides = array<i32>} : memref<32x1000xf32, #tpu.memory_space<vmem>>, vector<16xf32>,
      %swap3A_820 = arith.index_cast %scan3A_528 : i32 to index
      %swap3A_821 = arith.constant 544 : index
      %swap3A_822 = tpu.vector_load %arg6[%swap3A_820, %swap3A_821] {strides = array<i32>} : memref<32x1000xf32, #tpu.memory_space<vmem>>, vector<16xf32>,
      tpu.vector_store %arg6[%swap3A_820, %swap3A_821], %broadcast_in_dim3A_3 {strides = array<i32>} : memref<32x1000xf32, #tpu.memory_space<vmem>>, vector<16xf32>,
      %swap3A_823 = arith.index_cast %scan3A_528 : i32 to index
      %swap3A_824 = arith.constant 560 : index
      %swap3A_825 = tpu.vector_load %arg6[%swap3A_823, %swap3A_824] {strides = array<i32>} : memref<32x1000xf32, #tpu.memory_space<vmem>>, vector<16xf32>,
      tpu.vector_store %arg6[%swap3A_823, %swap3A_824], %broadcast_in_dim3A_3 {strides = array<i32>} : memref<32x1000xf32, #tpu.memory_space<vmem>>, vector<16xf32>,
      %swap3A_826 = arith.index_cast %scan3A_528 : i32 to index
      %swap3A_827 = arith.constant 576 : index
      %swap3A_828 = tpu.vector_load %arg6[%swap3A_826, %swap3A_827] {strides = array<i32>} : memref<32x1000xf32, #tpu.memory_space<vmem>>, vector<16xf32>,
      tpu.vector_store %arg6[%swap3A_826, %swap3A_827], %broadcast_in_dim3A_3 {strides = array<i32>} : memref<32x1000xf32, #tpu.memory_space<vmem>>, vector<16xf32>,
      %swap3A_829 = arith.index_cast %scan3A_528 : i32 to index
      %swap3A_830 = arith.constant 592 : index
      %swap3A_831 = tpu.vector_load %arg6[%swap3A_829, %swap3A_830] {strides = array<i32>} : memref<32x1000xf32, #tpu.memory_space<vmem>>, vector<16xf32>,
      tpu.vector_store %arg6[%swap3A_829, %swap3A_830], %broadcast_in_dim3A_3 {strides = array<i32>} : memref<32x1000xf32, #tpu.memory_space<vmem>>, vector<16xf32>,
      %swap3A_832 = arith.index_cast %scan3A_528 : i32 to index
      %swap3A_833 = arith.constant 608 : index
      %swap3A_834 = tpu.vector_load %arg6[%swap3A_832, %swap3A_833] {strides = array<i32>} : memref<32x1000xf32, #tpu.memory_space<vmem>>, vector<16xf32>,
      tpu.vector_store %arg6[%swap3A_832, %swap3A_833], %broadcast_in_dim3A_3 {strides = array<i32>} : memref<32x1000xf32, #tpu.memory_space<vmem>>, vector<16xf32>,
      %swap3A_835 = arith.index_cast %scan3A_528 : i32 to index
      %swap3A_836 = arith.constant 624 : index
      %swap3A_837 = tpu.vector_load %arg6[%swap3A_835, %swap3A_836] {strides = array<i32>} : memref<32x1000xf32, #tpu.memory_space<vmem>>, vector<16xf32>,
      tpu.vector_store %arg6[%swap3A_835, %swap3A_836], %broadcast_in_dim3A_3 {strides = array<i32>} : memref<32x1000xf32, #tpu.memory_space<vmem>>, vector<16xf32>,
      %swap3A_838 = arith.index_cast %scan3A_528 : i32 to index
      %swap3A_839 = arith.constant 640 : index
      %swap3A_840 = tpu.vector_load %arg6[%swap3A_838, %swap3A_839] {strides = array<i32>} : memref<32x1000xf32, #tpu.memory_space<vmem>>, vector<16xf32>,
      tpu.vector_store %arg6[%swap3A_838, %swap3A_839], %broadcast_in_dim3A_3 {strides = array<i32>} : memref<32x1000xf32, #tpu.memory_space<vmem>>, vector<16xf32>,
      %swap3A_841 = arith.index_cast %scan3A_528 : i32 to index
      %swap3A_842 = arith.constant 656 : index
      %swap3A_843 = tpu.vector_load %arg6[%swap3A_841, %swap3A_842] {strides = array<i32>} : memref<32x1000xf32, #tpu.memory_space<vmem>>, vector<16xf32>,
      tpu.vector_store %arg6[%swap3A_841, %swap3A_842], %broadcast_in_dim3A_3 {strides = array<i32>} : memref<32x1000xf32, #tpu.memory_space<vmem>>, vector<16xf32>,
      %swap3A_844 = arith.index_cast %scan3A_528 : i32 to index
      %swap3A_845 = arith.constant 672 : index
      %swap3A_846 = tpu.vector_load %arg6[%swap3A_844, %swap3A_845] {strides = array<i32>} : memref<32x1000xf32, #tpu.memory_space<vmem>>, vector<16xf32>,
      tpu.vector_store %arg6[%swap3A_844, %swap3A_845], %broadcast_in_dim3A_3 {strides = array<i32>} : memref<32x1000xf32, #tpu.memory_space<vmem>>, vector<16xf32>,
      %swap3A_847 = arith.index_cast %scan3A_528 : i32 to index
      %swap3A_848 = arith.constant 688 : index
      %swap3A_849 = tpu.vector_load %arg6[%swap3A_847, %swap3A_848] {strides = array<i32>} : memref<32x1000xf32, #tpu.memory_space<vmem>>, vector<16xf32>,
      tpu.vector_store %arg6[%swap3A_847, %swap3A_848], %broadcast_in_dim3A_3 {strides = array<i32>} : memref<32x1000xf32, #tpu.memory_space<vmem>>, vector<16xf32>,
      %swap3A_850 = arith.index_cast %scan3A_528 : i32 to index
      %swap3A_851 = arith.constant 704 : index
      %swap3A_852 = tpu.vector_load %arg6[%swap3A_850, %swap3A_851] {strides = array<i32>} : memref<32x1000xf32, #tpu.memory_space<vmem>>, vector<16xf32>,
      tpu.vector_store %arg6[%swap3A_850, %swap3A_851], %broadcast_in_dim3A_3 {strides = array<i32>} : memref<32x1000xf32, #tpu.memory_space<vmem>>, vector<16xf32>,
      %swap3A_853 = arith.index_cast %scan3A_528 : i32 to index
      %swap3A_854 = arith.constant 720 : index
      %swap3A_855 = tpu.vector_load %arg6[%swap3A_853, %swap3A_854] {strides = array<i32>} : memref<32x1000xf32, #tpu.memory_space<vmem>>, vector<16xf32>,
      tpu.vector_store %arg6[%swap3A_853, %swap3A_854], %broadcast_in_dim3A_3 {strides = array<i32>} : memref<32x1000xf32, #tpu.memory_space<vmem>>, vector<16xf32>,
      %swap3A_856 = arith.index_cast %scan3A_528 : i32 to index
      %swap3A_857 = arith.constant 736 : index
      %swap3A_858 = tpu.vector_load %arg6[%swap3A_856, %swap3A_857] {strides = array<i32>} : memref<32x1000xf32, #tpu.memory_space<vmem>>, vector<16xf32>,
      tpu.vector_store %arg6[%swap3A_856, %swap3A_857], %broadcast_in_dim3A_3 {strides = array<i32>} : memref<32x1000xf32, #tpu.memory_space<vmem>>, vector<16xf32>,
      %swap3A_859 = arith.index_cast %scan3A_528 : i32 to index
      %swap3A_860 = arith.constant 752 : index
      %swap3A_861 = tpu.vector_load %arg6[%swap3A_859, %swap3A_860] {strides = array<i32>} : memref<32x1000xf32, #tpu.memory_space<vmem>>, vector<16xf32>,
      tpu.vector_store %arg6[%swap3A_859, %swap3A_860], %broadcast_in_dim3A_3 {strides = array<i32>} : memref<32x1000xf32, #tpu.memory_space<vmem>>, vector<16xf32>,
      %swap3A_862 = arith.index_cast %scan3A_528 : i32 to index
      %swap3A_863 = arith.constant 768 : index
      %swap3A_864 = tpu.vector_load %arg6[%swap3A_862, %swap3A_863] {strides = array<i32>} : memref<32x1000xf32, #tpu.memory_space<vmem>>, vector<16xf32>,
      tpu.vector_store %arg6[%swap3A_862, %swap3A_863], %broadcast_in_dim3A_3 {strides = array<i32>} : memref<32x1000xf32, #tpu.memory_space<vmem>>, vector<16xf32>,
      %swap3A_865 = arith.index_cast %scan3A_528 : i32 to index
      %swap3A_866 = arith.constant 784 : index
      %swap3A_867 = tpu.vector_load %arg6[%swap3A_865, %swap3A_866] {strides = array<i32>} : memref<32x1000xf32, #tpu.memory_space<vmem>>, vector<16xf32>,
      tpu.vector_store %arg6[%swap3A_865, %swap3A_866], %broadcast_in_dim3A_3 {strides = array<i32>} : memref<32x1000xf32, #tpu.memory_space<vmem>>, vector<16xf32>,
      %swap3A_868 = arith.index_cast %scan3A_528 : i32 to index
      %swap3A_869 = arith.constant 800 : index
      %swap3A_870 = tpu.vector_load %arg6[%swap3A_868, %swap3A_869] {strides = array<i32>} : memref<32x1000xf32, #tpu.memory_space<vmem>>, vector<16xf32>,
      tpu.vector_store %arg6[%swap3A_868, %swap3A_869], %broadcast_in_dim3A_3 {strides = array<i32>} : memref<32x1000xf32, #tpu.memory_space<vmem>>, vector<16xf32>,
      %swap3A_871 = arith.index_cast %scan3A_528 : i32 to index
      %swap3A_872 = arith.constant 816 : index
      %swap3A_873 = tpu.vector_load %arg6[%swap3A_871, %swap3A_872] {strides = array<i32>} : memref<32x1000xf32, #tpu.memory_space<vmem>>, vector<16xf32>,
      tpu.vector_store %arg6[%swap3A_871, %swap3A_872], %broadcast_in_dim3A_3 {strides = array<i32>} : memref<32x1000xf32, #tpu.memory_space<vmem>>, vector<16xf32>,
      %swap3A_874 = arith.index_cast %scan3A_528 : i32 to index
      %swap3A_875 = arith.constant 832 : index
      %swap3A_876 = tpu.vector_load %arg6[%swap3A_874, %swap3A_875] {strides = array<i32>} : memref<32x1000xf32, #tpu.memory_space<vmem>>, vector<16xf32>,
      tpu.vector_store %arg6[%swap3A_874, %swap3A_875], %broadcast_in_dim3A_3 {strides = array<i32>} : memref<32x1000xf32, #tpu.memory_space<vmem>>, vector<16xf32>,
      %swap3A_877 = arith.index_cast %scan3A_528 : i32 to index
      %swap3A_878 = arith.constant 848 : index
      %swap3A_879 = tpu.vector_load %arg6[%swap3A_877, %swap3A_878] {strides = array<i32>} : memref<32x1000xf32, #tpu.memory_space<vmem>>, vector<16xf32>,
      tpu.vector_store %arg6[%swap3A_877, %swap3A_878], %broadcast_in_dim3A_3 {strides = array<i32>} : memref<32x1000xf32, #tpu.memory_space<vmem>>, vector<16xf32>,
      %swap3A_880 = arith.index_cast %scan3A_528 : i32 to index
      %swap3A_881 = arith.constant 864 : index
      %swap3A_882 = tpu.vector_load %arg6[%swap3A_880, %swap3A_881] {strides = array<i32>} : memref<32x1000xf32, #tpu.memory_space<vmem>>, vector<16xf32>,
      tpu.vector_store %arg6[%swap3A_880, %swap3A_881], %broadcast_in_dim3A_3 {strides = array<i32>} : memref<32x1000xf32, #tpu.memory_space<vmem>>, vector<16xf32>,
      %swap3A_883 = arith.index_cast %scan3A_528 : i32 to index
      %swap3A_884 = arith.constant 880 : index
      %swap3A_885 = tpu.vector_load %arg6[%swap3A_883, %swap3A_884] {strides = array<i32>} : memref<32x1000xf32, #tpu.memory_space<vmem>>, vector<16xf32>,
      tpu.vector_store %arg6[%swap3A_883, %swap3A_884], %broadcast_in_dim3A_3 {strides = array<i32>} : memref<32x1000xf32, #tpu.memory_space<vmem>>, vector<16xf32>,
      %swap3A_886 = arith.index_cast %scan3A_528 : i32 to index
      %swap3A_887 = arith.constant 896 : index
      %swap3A_888 = tpu.vector_load %arg6[%swap3A_886, %swap3A_887] {strides = array<i32>} : memref<32x1000xf32, #tpu.memory_space<vmem>>, vector<16xf32>,
      tpu.vector_store %arg6[%swap3A_886, %swap3A_887], %broadcast_in_dim3A_3 {strides = array<i32>} : memref<32x1000xf32, #tpu.memory_space<vmem>>, vector<16xf32>,
      %swap3A_889 = arith.index_cast %scan3A_528 : i32 to index
      %swap3A_890 = arith.constant 912 : index
      %swap3A_891 = tpu.vector_load %arg6[%swap3A_889, %swap3A_890] {strides = array<i32>} : memref<32x1000xf32, #tpu.memory_space<vmem>>, vector<16xf32>,
      tpu.vector_store %arg6[%swap3A_889, %swap3A_890], %broadcast_in_dim3A_3 {strides = array<i32>} : memref<32x1000xf32, #tpu.memory_space<vmem>>, vector<16xf32>,
      %swap3A_892 = arith.index_cast %scan3A_528 : i32 to index
      %swap3A_893 = arith.constant 928 : index
      %swap3A_894 = tpu.vector_load %arg6[%swap3A_892, %swap3A_893] {strides = array<i32>} : memref<32x1000xf32, #tpu.memory_space<vmem>>, vector<16xf32>,
      tpu.vector_store %arg6[%swap3A_892, %swap3A_893], %broadcast_in_dim3A_3 {strides = array<i32>} : memref<32x1000xf32, #tpu.memory_space<vmem>>, vector<16xf32>,
      %swap3A_895 = arith.index_cast %scan3A_528 : i32 to index
      %swap3A_896 = arith.constant 944 : index
      %swap3A_897 = tpu.vector_load %arg6[%swap3A_895, %swap3A_896] {strides = array<i32>} : memref<32x1000xf32, #tpu.memory_space<vmem>>, vector<16xf32>,
      tpu.vector_store %arg6[%swap3A_895, %swap3A_896], %broadcast_in_dim3A_3 {strides = array<i32>} : memref<32x1000xf32, #tpu.memory_space<vmem>>, vector<16xf32>,
      %swap3A_898 = arith.index_cast %scan3A_528 : i32 to index
      %swap3A_899 = arith.constant 960 : index
      %swap3A_900 = tpu.vector_load %arg6[%swap3A_898, %swap3A_899] {strides = array<i32>} : memref<32x1000xf32, #tpu.memory_space<vmem>>, vector<16xf32>,
      tpu.vector_store %arg6[%swap3A_898, %swap3A_899], %broadcast_in_dim3A_3 {strides = array<i32>} : memref<32x1000xf32, #tpu.memory_space<vmem>>, vector<16xf32>,
      %swap3A_901 = arith.index_cast %scan3A_528 : i32 to index
      %swap3A_902 = arith.constant 976 : index
      %swap3A_903 = tpu.vector_load %arg6[%swap3A_901, %swap3A_902] {strides = array<i32>} : memref<32x1000xf32, #tpu.memory_space<vmem>>, vector<16xf32>,
      tpu.vector_store %arg6[%swap3A_901, %swap3A_902], %broadcast_in_dim3A_3 {strides = array<i32>} : memref<32x1000xf32, #tpu.memory_space<vmem>>, vector<16xf32>,
      %swap3A_904 = arith.index_cast %scan3A_528 : i32 to index
      %swap3A_905 = arith.constant 984 : index
      %swap3A_906 = tpu.vector_load %arg6[%swap3A_904, %swap3A_905] {strides = array<i32>} : memref<32x1000xf32, #tpu.memory_space<vmem>>, vector<16xf32>,
      tpu.vector_store %arg6[%swap3A_904, %swap3A_905], %broadcast_in_dim3A_3 {strides = array<i32>} : memref<32x1000xf32, #tpu.memory_space<vmem>>, vector<16xf32>,
      %scan3A_907 = arith.constant 0 : i32
      scf.yield %scan3A_907 : i32
    }
    %scan3A_11 = arith.constant 32 : i32
    %get3A = arith.constant 0 : index
    %get3A_12 = tpu.vector_load %arg4[%get3A] {strides = array<i32>} : memref<512xi32, #tpu.memory_space<vmem>>, vector<16xi32>,
    %iota3A = tpu.iota {dimensions = array<i32: 0>} : vector<16xi32>
    %add3A_13 = arith.constant 0 : i32
    %add3A_14 = vector.broadcast %add3A_13 : i32 to vector<16xi32>
    %add3A_15 = arith.addi %iota3A, %add3A_14 : vector<16xi32>
    tpu.vector_store_idx %arg5[%add3A_15, %get3A_12], %broadcast_in_dim3A_5 : memref<32x1000xf32, #tpu.memory_space<vmem>>[vector<16xi32>, vector<16xi32>], vector<16xf32>,
    %get3A_16 = arith.constant 16 : index
    %get3A_17 = tpu.vector_load %arg4[%get3A_16] {strides = array<i32>} : memref<512xi32, #tpu.memory_space<vmem>>, vector<16xi32>,
    %iota3A_18 = tpu.iota {dimensions = array<i32: 0>} : vector<16xi32>
    %add3A_19 = arith.constant 16 : i32
    %add3A_20 = vector.broadcast %add3A_19 : i32 to vector<16xi32>
    %add3A_21 = arith.addi %iota3A_18, %add3A_20 : vector<16xi32>
    tpu.vector_store_idx %arg5[%add3A_21, %get3A_17], %broadcast_in_dim3A_5 : memref<32x1000xf32, #tpu.memory_space<vmem>>[vector<16xi32>, vector<16xi32>], vector<16xf32>,
    %add3A_22 = arith.constant 0 : i32
    %add3A_23 = arith.addi %mul3A_2, %add3A_22 : i32
    %dma_start3A = arith.constant 0 : i32
    %dma_start3A_24 = tpu.memref_slice %arg3[%add3A_23, %dma_start3A] : memref<16384x1000xf32, #tpu.memory_space<hbm>> -> memref<32x1000xf32, #tpu.memory_space<hbm>>
    %dma_start3A_25 = arith.constant 0 : i32
    %dma_start3A_26 = tpu.memref_slice %arg3[%add3A_23, %dma_start3A_25] : memref<16384x1000xf32, #tpu.memory_space<hbm>> -> memref<32x1000xf32, #tpu.memory_space<hbm>>
    tpu.enqueue_dma source(%arg5 : memref<32x1000xf32, #tpu.memory_space<vmem>>) target(%dma_start3A_26 : memref<32x1000xf32, #tpu.memory_space<hbm>>) target_semaphore(%arg7 : memref<!tpu.dma_semaphore, #tpu.memory_space<semaphore_mem>>)
    %get3A_27 = arith.constant 32 : index
    %get3A_28 = tpu.vector_load %arg4[%get3A_27] {strides = array<i32>} : memref<512xi32, #tpu.memory_space<vmem>>, vector<16xi32>,
    %iota3A_29 = tpu.iota {dimensions = array<i32: 0>} : vector<16xi32>
    %add3A_30 = arith.constant 0 : i32
    %add3A_31 = vector.broadcast %add3A_30 : i32 to vector<16xi32>
    %add3A_32 = arith.addi %iota3A_29, %add3A_31 : vector<16xi32>
    tpu.vector_store_idx %arg6[%add3A_32, %get3A_28], %broadcast_in_dim3A_5 : memref<32x1000xf32, #tpu.memory_space<vmem>>[vector<16xi32>, vector<16xi32>], vector<16xf32>,
    %get3A_33 = arith.constant 48 : index
    %get3A_34 = tpu.vector_load %arg4[%get3A_33] {strides = array<i32>} : memref<512xi32, #tpu.memory_space<vmem>>, vector<16xi32>,
    %iota3A_35 = tpu.iota {dimensions = array<i32: 0>} : vector<16xi32>
    %add3A_36 = arith.constant 16 : i32
    %add3A_37 = vector.broadcast %add3A_36 : i32 to vector<16xi32>
    %add3A_38 = arith.addi %iota3A_35, %add3A_37 : vector<16xi32>
    tpu.vector_store_idx %arg6[%add3A_38, %get3A_34], %broadcast_in_dim3A_5 : memref<32x1000xf32, #tpu.memory_space<vmem>>[vector<16xi32>, vector<16xi32>], vector<16xf32>,
    %add3A_39 = arith.constant 32 : i32
    %add3A_40 = arith.addi %mul3A_2, %add3A_39 : i32
    %dma_start3A_41 = arith.constant 0 : i32
    %dma_start3A_42 = tpu.memref_slice %arg3[%add3A_40, %dma_start3A_41] : memref<16384x1000xf32, #tpu.memory_space<hbm>> -> memref<32x1000xf32, #tpu.memory_space<hbm>>
    %dma_start3A_43 = arith.constant 0 : i32
    %dma_start3A_44 = tpu.memref_slice %arg3[%add3A_40, %dma_start3A_43] : memref<16384x1000xf32, #tpu.memory_space<hbm>> -> memref<32x1000xf32, #tpu.memory_space<hbm>>
    tpu.enqueue_dma source(%arg6 : memref<32x1000xf32, #tpu.memory_space<vmem>>) target(%dma_start3A_44 : memref<32x1000xf32, #tpu.memory_space<hbm>>) target_semaphore(%arg8 : memref<!tpu.dma_semaphore, #tpu.memory_space<semaphore_mem>>)
    %dma_wait3A = arith.constant 0 : i32
    %dma_wait3A_45 = tpu.memref_slice %arg3[%add3A_23, %dma_wait3A] : memref<16384x1000xf32, #tpu.memory_space<hbm>> -> memref<32x1000xf32, #tpu.memory_space<hbm>>
    %dma_wait3A_46 = arith.constant 0 : i32
    %dma_wait3A_47 = tpu.memref_slice %arg3[%add3A_23, %dma_wait3A_46] : memref<16384x1000xf32, #tpu.memory_space<hbm>> -> memref<32x1000xf32, #tpu.memory_space<hbm>>
    tpu.wait_dma2 semaphore(%arg7 : memref<!tpu.dma_semaphore, #tpu.memory_space<semaphore_mem>>) src(%arg5 : memref<32x1000xf32, #tpu.memory_space<vmem>>) dst(%dma_wait3A_47 : memref<32x1000xf32, #tpu.memory_space<hbm>>)
    %get3A_48 = arith.constant 0 : index
    %get3A_49 = tpu.vector_load %arg4[%get3A_48] {strides = array<i32>} : memref<512xi32, #tpu.memory_space<vmem>>, vector<16xi32>,
    %iota3A_50 = tpu.iota {dimensions = array<i32: 0>} : vector<16xi32>
    %add3A_51 = arith.constant 0 : i32
    %add3A_52 = vector.broadcast %add3A_51 : i32 to vector<16xi32>
    %add3A_53 = arith.addi %iota3A_50, %add3A_52 : vector<16xi32>
    tpu.vector_store_idx %arg5[%add3A_53, %get3A_49], %broadcast_in_dim3A_3 : memref<32x1000xf32, #tpu.memory_space<vmem>>[vector<16xi32>, vector<16xi32>], vector<16xf32>,
    %get3A_54 = arith.constant 16 : index
    %get3A_55 = tpu.vector_load %arg4[%get3A_54] {strides = array<i32>} : memref<512xi32, #tpu.memory_space<vmem>>, vector<16xi32>,
    %iota3A_56 = tpu.iota {dimensions = array<i32: 0>} : vector<16xi32>
    %add3A_57 = arith.constant 16 : i32
    %add3A_58 = vector.broadcast %add3A_57 : i32 to vector<16xi32>
    %add3A_59 = arith.addi %iota3A_56, %add3A_58 : vector<16xi32>
    tpu.vector_store_idx %arg5[%add3A_59, %get3A_55], %broadcast_in_dim3A_3 : memref<32x1000xf32, #tpu.memory_space<vmem>>[vector<16xi32>, vector<16xi32>], vector<16xf32>,
    %get3A_60 = arith.constant 64 : index
    %get3A_61 = tpu.vector_load %arg4[%get3A_60] {strides = array<i32>} : memref<512xi32, #tpu.memory_space<vmem>>, vector<16xi32>,
    %iota3A_62 = tpu.iota {dimensions = array<i32: 0>} : vector<16xi32>
    %add3A_63 = arith.constant 0 : i32
    %add3A_64 = vector.broadcast %add3A_63 : i32 to vector<16xi32>
    %add3A_65 = arith.addi %iota3A_62, %add3A_64 : vector<16xi32>
    tpu.vector_store_idx %arg5[%add3A_65, %get3A_61], %broadcast_in_dim3A_5 : memref<32x1000xf32, #tpu.memory_space<vmem>>[vector<16xi32>, vector<16xi32>], vector<16xf32>,
    %get3A_66 = arith.constant 80 : index
    %get3A_67 = tpu.vector_load %arg4[%get3A_66] {strides = array<i32>} : memref<512xi32, #tpu.memory_space<vmem>>, vector<16xi32>,
    %iota3A_68 = tpu.iota {dimensions = array<i32: 0>} : vector<16xi32>
    %add3A_69 = arith.constant 16 : i32
    %add3A_70 = vector.broadcast %add3A_69 : i32 to vector<16xi32>
    %add3A_71 = arith.addi %iota3A_68, %add3A_70 : vector<16xi32>
    tpu.vector_store_idx %arg5[%add3A_71, %get3A_67], %broadcast_in_dim3A_5 : memref<32x1000xf32, #tpu.memory_space<vmem>>[vector<16xi32>, vector<16xi32>], vector<16xf32>,
    %add3A_72 = arith.constant 64 : i32
    %add3A_73 = arith.addi %mul3A_2, %add3A_72 : i32
    %dma_start3A_74 = arith.constant 0 : i32
    %dma_start3A_75 = tpu.memref_slice %arg3[%add3A_73, %dma_start3A_74] : memref<16384x1000xf32, #tpu.memory_space<hbm>> -> memref<32x1000xf32, #tpu.memory_space<hbm>>
    %dma_start3A_76 = arith.constant 0 : i32
    %dma_start3A_77 = tpu.memref_slice %arg3[%add3A_73, %dma_start3A_76] : memref<16384x1000xf32, #tpu.memory_space<hbm>> -> memref<32x1000xf32, #tpu.memory_space<hbm>>
    tpu.enqueue_dma source(%arg5 : memref<32x1000xf32, #tpu.memory_space<vmem>>) target(%dma_start3A_77 : memref<32x1000xf32, #tpu.memory_space<hbm>>) target_semaphore(%arg7 : memref<!tpu.dma_semaphore, #tpu.memory_space<semaphore_mem>>)
    %dma_wait3A_78 = arith.constant 0 : i32
    %dma_wait3A_79 = tpu.memref_slice %arg3[%add3A_40, %dma_wait3A_78] : memref<16384x1000xf32, #tpu.memory_space<hbm>> -> memref<32x1000xf32, #tpu.memory_space<hbm>>
    %dma_wait3A_80 = arith.constant 0 : i32
    %dma_wait3A_81 = tpu.memref_slice %arg3[%add3A_40, %dma_wait3A_80] : memref<16384x1000xf32, #tpu.memory_space<hbm>> -> memref<32x1000xf32, #tpu.memory_space<hbm>>
    tpu.wait_dma2 semaphore(%arg8 : memref<!tpu.dma_semaphore, #tpu.memory_space<semaphore_mem>>) src(%arg6 : memref<32x1000xf32, #tpu.memory_space<vmem>>) dst(%dma_wait3A_81 : memref<32x1000xf32, #tpu.memory_space<hbm>>)
    %get3A_82 = arith.constant 32 : index
    %get3A_83 = tpu.vector_load %arg4[%get3A_82] {strides = array<i32>} : memref<512xi32, #tpu.memory_space<vmem>>, vector<16xi32>,
    %iota3A_84 = tpu.iota {dimensions = array<i32: 0>} : vector<16xi32>
    %add3A_85 = arith.constant 0 : i32
    %add3A_86 = vector.broadcast %add3A_85 : i32 to vector<16xi32>
    %add3A_87 = arith.addi %iota3A_84, %add3A_86 : vector<16xi32>
    tpu.vector_store_idx %arg6[%add3A_87, %get3A_83], %broadcast_in_dim3A_3 : memref<32x1000xf32, #tpu.memory_space<vmem>>[vector<16xi32>, vector<16xi32>], vector<16xf32>,
    %get3A_88 = arith.constant 48 : index
    %get3A_89 = tpu.vector_load %arg4[%get3A_88] {strides = array<i32>} : memref<512xi32, #tpu.memory_space<vmem>>, vector<16xi32>,
    %iota3A_90 = tpu.iota {dimensions = array<i32: 0>} : vector<16xi32>
    %add3A_91 = arith.constant 16 : i32
    %add3A_92 = vector.broadcast %add3A_91 : i32 to vector<16xi32>
    %add3A_93 = arith.addi %iota3A_90, %add3A_92 : vector<16xi32>
    tpu.vector_store_idx %arg6[%add3A_93, %get3A_89], %broadcast_in_dim3A_3 : memref<32x1000xf32, #tpu.memory_space<vmem>>[vector<16xi32>, vector<16xi32>], vector<16xf32>,
    %get3A_94 = arith.constant 96 : index
    %get3A_95 = tpu.vector_load %arg4[%get3A_94] {strides = array<i32>} : memref<512xi32, #tpu.memory_space<vmem>>, vector<16xi32>,
    %iota3A_96 = tpu.iota {dimensions = array<i32: 0>} : vector<16xi32>
    %add3A_97 = arith.constant 0 : i32
    %add3A_98 = vector.broadcast %add3A_97 : i32 to vector<16xi32>
    %add3A_99 = arith.addi %iota3A_96, %add3A_98 : vector<16xi32>
    tpu.vector_store_idx %arg6[%add3A_99, %get3A_95], %broadcast_in_dim3A_5 : memref<32x1000xf32, #tpu.memory_space<vmem>>[vector<16xi32>, vector<16xi32>], vector<16xf32>,
    %get3A_100 = arith.constant 112 : index
    %get3A_101 = tpu.vector_load %arg4[%get3A_100] {strides = array<i32>} : memref<512xi32, #tpu.memory_space<vmem>>, vector<16xi32>,
    %iota3A_102 = tpu.iota {dimensions = array<i32: 0>} : vector<16xi32>
    %add3A_103 = arith.constant 16 : i32
    %add3A_104 = vector.broadcast %add3A_103 : i32 to vector<16xi32>
    %add3A_105 = arith.addi %iota3A_102, %add3A_104 : vector<16xi32>
    tpu.vector_store_idx %arg6[%add3A_105, %get3A_101], %broadcast_in_dim3A_5 : memref<32x1000xf32, #tpu.memory_space<vmem>>[vector<16xi32>, vector<16xi32>], vector<16xf32>,
    %add3A_106 = arith.constant 96 : i32
    %add3A_107 = arith.addi %mul3A_2, %add3A_106 : i32
    %dma_start3A_108 = arith.constant 0 : i32
    %dma_start3A_109 = tpu.memref_slice %arg3[%add3A_107, %dma_start3A_108] : memref<16384x1000xf32, #tpu.memory_space<hbm>> -> memref<32x1000xf32, #tpu.memory_space<hbm>>
    %dma_start3A_110 = arith.constant 0 : i32
    %dma_start3A_111 = tpu.memref_slice %arg3[%add3A_107, %dma_start3A_110] : memref<16384x1000xf32, #tpu.memory_space<hbm>> -> memref<32x1000xf32, #tpu.memory_space<hbm>>
    tpu.enqueue_dma source(%arg6 : memref<32x1000xf32, #tpu.memory_space<vmem>>) target(%dma_start3A_111 : memref<32x1000xf32, #tpu.memory_space<hbm>>) target_semaphore(%arg8 : memref<!tpu.dma_semaphore, #tpu.memory_space<semaphore_mem>>)
    %dma_wait3A_112 = arith.constant 0 : i32
    %dma_wait3A_113 = tpu.memref_slice %arg3[%add3A_73, %dma_wait3A_112] : memref<16384x1000xf32, #tpu.memory_space<hbm>> -> memref<32x1000xf32, #tpu.memory_space<hbm>>
    %dma_wait3A_114 = arith.constant 0 : i32
    %dma_wait3A_115 = tpu.memref_slice %arg3[%add3A_73, %dma_wait3A_114] : memref<16384x1000xf32, #tpu.memory_space<hbm>> -> memref<32x1000xf32, #tpu.memory_space<hbm>>
    tpu.wait_dma2 semaphore(%arg7 : memref<!tpu.dma_semaphore, #tpu.memory_space<semaphore_mem>>) src(%arg5 : memref<32x1000xf32, #tpu.memory_space<vmem>>) dst(%dma_wait3A_115 : memref<32x1000xf32, #tpu.memory_space<hbm>>)
    %get3A_116 = arith.constant 64 : index
    %get3A_117 = tpu.vector_load %arg4[%get3A_116] {strides = array<i32>} : memref<512xi32, #tpu.memory_space<vmem>>, vector<16xi32>,
    %iota3A_118 = tpu.iota {dimensions = array<i32: 0>} : vector<16xi32>
    %add3A_119 = arith.constant 0 : i32
    %add3A_120 = vector.broadcast %add3A_119 : i32 to vector<16xi32>
    %add3A_121 = arith.addi %iota3A_118, %add3A_120 : vector<16xi32>
    tpu.vector_store_idx %arg5[%add3A_121, %get3A_117], %broadcast_in_dim3A_3 : memref<32x1000xf32, #tpu.memory_space<vmem>>[vector<16xi32>, vector<16xi32>], vector<16xf32>,
    %get3A_122 = arith.constant 80 : index
    %get3A_123 = tpu.vector_load %arg4[%get3A_122] {strides = array<i32>} : memref<512xi32, #tpu.memory_space<vmem>>, vector<16xi32>,
    %iota3A_124 = tpu.iota {dimensions = array<i32: 0>} : vector<16xi32>
    %add3A_125 = arith.constant 16 : i32
    %add3A_126 = vector.broadcast %add3A_125 : i32 to vector<16xi32>
    %add3A_127 = arith.addi %iota3A_124, %add3A_126 : vector<16xi32>
    tpu.vector_store_idx %arg5[%add3A_127, %get3A_123], %broadcast_in_dim3A_3 : memref<32x1000xf32, #tpu.memory_space<vmem>>[vector<16xi32>, vector<16xi32>], vector<16xf32>,
    %get3A_128 = arith.constant 128 : index
    %get3A_129 = tpu.vector_load %arg4[%get3A_128] {strides = array<i32>} : memref<512xi32, #tpu.memory_space<vmem>>, vector<16xi32>,
    %iota3A_130 = tpu.iota {dimensions = array<i32: 0>} : vector<16xi32>
    %add3A_131 = arith.constant 0 : i32
    %add3A_132 = vector.broadcast %add3A_131 : i32 to vector<16xi32>
    %add3A_133 = arith.addi %iota3A_130, %add3A_132 : vector<16xi32>
    tpu.vector_store_idx %arg5[%add3A_133, %get3A_129], %broadcast_in_dim3A_5 : memref<32x1000xf32, #tpu.memory_space<vmem>>[vector<16xi32>, vector<16xi32>], vector<16xf32>,
    %get3A_134 = arith.constant 144 : index
    %get3A_135 = tpu.vector_load %arg4[%get3A_134] {strides = array<i32>} : memref<512xi32, #tpu.memory_space<vmem>>, vector<16xi32>,
    %iota3A_136 = tpu.iota {dimensions = array<i32: 0>} : vector<16xi32>
    %add3A_137 = arith.constant 16 : i32
    %add3A_138 = vector.broadcast %add3A_137 : i32 to vector<16xi32>
    %add3A_139 = arith.addi %iota3A_136, %add3A_138 : vector<16xi32>
    tpu.vector_store_idx %arg5[%add3A_139, %get3A_135], %broadcast_in_dim3A_5 : memref<32x1000xf32, #tpu.memory_space<vmem>>[vector<16xi32>, vector<16xi32>], vector<16xf32>,
    %add3A_140 = arith.constant 128 : i32
    %add3A_141 = arith.addi %mul3A_2, %add3A_140 : i32
    %dma_start3A_142 = arith.constant 0 : i32
    %dma_start3A_143 = tpu.memref_slice %arg3[%add3A_141, %dma_start3A_142] : memref<16384x1000xf32, #tpu.memory_space<hbm>> -> memref<32x1000xf32, #tpu.memory_space<hbm>>
    %dma_start3A_144 = arith.constant 0 : i32
    %dma_start3A_145 = tpu.memref_slice %arg3[%add3A_141, %dma_start3A_144] : memref<16384x1000xf32, #tpu.memory_space<hbm>> -> memref<32x1000xf32, #tpu.memory_space<hbm>>
    tpu.enqueue_dma source(%arg5 : memref<32x1000xf32, #tpu.memory_space<vmem>>) target(%dma_start3A_145 : memref<32x1000xf32, #tpu.memory_space<hbm>>) target_semaphore(%arg7 : memref<!tpu.dma_semaphore, #tpu.memory_space<semaphore_mem>>)
    %dma_wait3A_146 = arith.constant 0 : i32
    %dma_wait3A_147 = tpu.memref_slice %arg3[%add3A_107, %dma_wait3A_146] : memref<16384x1000xf32, #tpu.memory_space<hbm>> -> memref<32x1000xf32, #tpu.memory_space<hbm>>
    %dma_wait3A_148 = arith.constant 0 : i32
    %dma_wait3A_149 = tpu.memref_slice %arg3[%add3A_107, %dma_wait3A_148] : memref<16384x1000xf32, #tpu.memory_space<hbm>> -> memref<32x1000xf32, #tpu.memory_space<hbm>>
    tpu.wait_dma2 semaphore(%arg8 : memref<!tpu.dma_semaphore, #tpu.memory_space<semaphore_mem>>) src(%arg6 : memref<32x1000xf32, #tpu.memory_space<vmem>>) dst(%dma_wait3A_149 : memref<32x1000xf32, #tpu.memory_space<hbm>>)
    %get3A_150 = arith.constant 96 : index
    %get3A_151 = tpu.vector_load %arg4[%get3A_150] {strides = array<i32>} : memref<512xi32, #tpu.memory_space<vmem>>, vector<16xi32>,
    %iota3A_152 = tpu.iota {dimensions = array<i32: 0>} : vector<16xi32>
    %add3A_153 = arith.constant 0 : i32
    %add3A_154 = vector.broadcast %add3A_153 : i32 to vector<16xi32>
    %add3A_155 = arith.addi %iota3A_152, %add3A_154 : vector<16xi32>
    tpu.vector_store_idx %arg6[%add3A_155, %get3A_151], %broadcast_in_dim3A_3 : memref<32x1000xf32, #tpu.memory_space<vmem>>[vector<16xi32>, vector<16xi32>], vector<16xf32>,
    %get3A_156 = arith.constant 112 : index
    %get3A_157 = tpu.vector_load %arg4[%get3A_156] {strides = array<i32>} : memref<512xi32, #tpu.memory_space<vmem>>, vector<16xi32>,
    %iota3A_158 = tpu.iota {dimensions = array<i32: 0>} : vector<16xi32>
    %add3A_159 = arith.constant 16 : i32
    %add3A_160 = vector.broadcast %add3A_159 : i32 to vector<16xi32>
    %add3A_161 = arith.addi %iota3A_158, %add3A_160 : vector<16xi32>
    tpu.vector_store_idx %arg6[%add3A_161, %get3A_157], %broadcast_in_dim3A_3 : memref<32x1000xf32, #tpu.memory_space<vmem>>[vector<16xi32>, vector<16xi32>], vector<16xf32>,
    %get3A_162 = arith.constant 160 : index
    %get3A_163 = tpu.vector_load %arg4[%get3A_162] {strides = array<i32>} : memref<512xi32, #tpu.memory_space<vmem>>, vector<16xi32>,
    %iota3A_164 = tpu.iota {dimensions = array<i32: 0>} : vector<16xi32>
    %add3A_165 = arith.constant 0 : i32
    %add3A_166 = vector.broadcast %add3A_165 : i32 to vector<16xi32>
    %add3A_167 = arith.addi %iota3A_164, %add3A_166 : vector<16xi32>
    tpu.vector_store_idx %arg6[%add3A_167, %get3A_163], %broadcast_in_dim3A_5 : memref<32x1000xf32, #tpu.memory_space<vmem>>[vector<16xi32>, vector<16xi32>], vector<16xf32>,
    %get3A_168 = arith.constant 176 : index
    %get3A_169 = tpu.vector_load %arg4[%get3A_168] {strides = array<i32>} : memref<512xi32, #tpu.memory_space<vmem>>, vector<16xi32>,
    %iota3A_170 = tpu.iota {dimensions = array<i32: 0>} : vector<16xi32>
    %add3A_171 = arith.constant 16 : i32
    %add3A_172 = vector.broadcast %add3A_171 : i32 to vector<16xi32>
    %add3A_173 = arith.addi %iota3A_170, %add3A_172 : vector<16xi32>
    tpu.vector_store_idx %arg6[%add3A_173, %get3A_169], %broadcast_in_dim3A_5 : memref<32x1000xf32, #tpu.memory_space<vmem>>[vector<16xi32>, vector<16xi32>], vector<16xf32>,
    %add3A_174 = arith.constant 160 : i32
    %add3A_175 = arith.addi %mul3A_2, %add3A_174 : i32
    %dma_start3A_176 = arith.constant 0 : i32
    %dma_start3A_177 = tpu.memref_slice %arg3[%add3A_175, %dma_start3A_176] : memref<16384x1000xf32, #tpu.memory_space<hbm>> -> memref<32x1000xf32, #tpu.memory_space<hbm>>
    %dma_start3A_178 = arith.constant 0 : i32
    %dma_start3A_179 = tpu.memref_slice %arg3[%add3A_175, %dma_start3A_178] : memref<16384x1000xf32, #tpu.memory_space<hbm>> -> memref<32x1000xf32, #tpu.memory_space<hbm>>
    tpu.enqueue_dma source(%arg6 : memref<32x1000xf32, #tpu.memory_space<vmem>>) target(%dma_start3A_179 : memref<32x1000xf32, #tpu.memory_space<hbm>>) target_semaphore(%arg8 : memref<!tpu.dma_semaphore, #tpu.memory_space<semaphore_mem>>)
    %dma_wait3A_180 = arith.constant 0 : i32
    %dma_wait3A_181 = tpu.memref_slice %arg3[%add3A_141, %dma_wait3A_180] : memref<16384x1000xf32, #tpu.memory_space<hbm>> -> memref<32x1000xf32, #tpu.memory_space<hbm>>
    %dma_wait3A_182 = arith.constant 0 : i32
    %dma_wait3A_183 = tpu.memref_slice %arg3[%add3A_141, %dma_wait3A_182] : memref<16384x1000xf32, #tpu.memory_space<hbm>> -> memref<32x1000xf32, #tpu.memory_space<hbm>>
    tpu.wait_dma2 semaphore(%arg7 : memref<!tpu.dma_semaphore, #tpu.memory_space<semaphore_mem>>) src(%arg5 : memref<32x1000xf32, #tpu.memory_space<vmem>>) dst(%dma_wait3A_183 : memref<32x1000xf32, #tpu.memory_space<hbm>>)
    %get3A_184 = arith.constant 128 : index
    %get3A_185 = tpu.vector_load %arg4[%get3A_184] {strides = array<i32>} : memref<512xi32, #tpu.memory_space<vmem>>, vector<16xi32>,
    %iota3A_186 = tpu.iota {dimensions = array<i32: 0>} : vector<16xi32>
    %add3A_187 = arith.constant 0 : i32
    %add3A_188 = vector.broadcast %add3A_187 : i32 to vector<16xi32>
    %add3A_189 = arith.addi %iota3A_186, %add3A_188 : vector<16xi32>
    tpu.vector_store_idx %arg5[%add3A_189, %get3A_185], %broadcast_in_dim3A_3 : memref<32x1000xf32, #tpu.memory_space<vmem>>[vector<16xi32>, vector<16xi32>], vector<16xf32>,
    %get3A_190 = arith.constant 144 : index
    %get3A_191 = tpu.vector_load %arg4[%get3A_190] {strides = array<i32>} : memref<512xi32, #tpu.memory_space<vmem>>, vector<16xi32>,
    %iota3A_192 = tpu.iota {dimensions = array<i32: 0>} : vector<16xi32>
    %add3A_193 = arith.constant 16 : i32
    %add3A_194 = vector.broadcast %add3A_193 : i32 to vector<16xi32>
    %add3A_195 = arith.addi %iota3A_192, %add3A_194 : vector<16xi32>
    tpu.vector_store_idx %arg5[%add3A_195, %get3A_191], %broadcast_in_dim3A_3 : memref<32x1000xf32, #tpu.memory_space<vmem>>[vector<16xi32>, vector<16xi32>], vector<16xf32>,
    %get3A_196 = arith.constant 192 : index
    %get3A_197 = tpu.vector_load %arg4[%get3A_196] {strides = array<i32>} : memref<512xi32, #tpu.memory_space<vmem>>, vector<16xi32>,
    %iota3A_198 = tpu.iota {dimensions = array<i32: 0>} : vector<16xi32>
    %add3A_199 = arith.constant 0 : i32
    %add3A_200 = vector.broadcast %add3A_199 : i32 to vector<16xi32>
    %add3A_201 = arith.addi %iota3A_198, %add3A_200 : vector<16xi32>
    tpu.vector_store_idx %arg5[%add3A_201, %get3A_197], %broadcast_in_dim3A_5 : memref<32x1000xf32, #tpu.memory_space<vmem>>[vector<16xi32>, vector<16xi32>], vector<16xf32>,
    %get3A_202 = arith.constant 208 : index
    %get3A_203 = tpu.vector_load %arg4[%get3A_202] {strides = array<i32>} : memref<512xi32, #tpu.memory_space<vmem>>, vector<16xi32>,
    %iota3A_204 = tpu.iota {dimensions = array<i32: 0>} : vector<16xi32>
    %add3A_205 = arith.constant 16 : i32
    %add3A_206 = vector.broadcast %add3A_205 : i32 to vector<16xi32>
    %add3A_207 = arith.addi %iota3A_204, %add3A_206 : vector<16xi32>
    tpu.vector_store_idx %arg5[%add3A_207, %get3A_203], %broadcast_in_dim3A_5 : memref<32x1000xf32, #tpu.memory_space<vmem>>[vector<16xi32>, vector<16xi32>], vector<16xf32>,
    %add3A_208 = arith.constant 192 : i32
    %add3A_209 = arith.addi %mul3A_2, %add3A_208 : i32
    %dma_start3A_210 = arith.constant 0 : i32
    %dma_start3A_211 = tpu.memref_slice %arg3[%add3A_209, %dma_start3A_210] : memref<16384x1000xf32, #tpu.memory_space<hbm>> -> memref<32x1000xf32, #tpu.memory_space<hbm>>
    %dma_start3A_212 = arith.constant 0 : i32
    %dma_start3A_213 = tpu.memref_slice %arg3[%add3A_209, %dma_start3A_212] : memref<16384x1000xf32, #tpu.memory_space<hbm>> -> memref<32x1000xf32, #tpu.memory_space<hbm>>
    tpu.enqueue_dma source(%arg5 : memref<32x1000xf32, #tpu.memory_space<vmem>>) target(%dma_start3A_213 : memref<32x1000xf32, #tpu.memory_space<hbm>>) target_semaphore(%arg7 : memref<!tpu.dma_semaphore, #tpu.memory_space<semaphore_mem>>)
    %dma_wait3A_214 = arith.constant 0 : i32
    %dma_wait3A_215 = tpu.memref_slice %arg3[%add3A_175, %dma_wait3A_214] : memref<16384x1000xf32, #tpu.memory_space<hbm>> -> memref<32x1000xf32, #tpu.memory_space<hbm>>
    %dma_wait3A_216 = arith.constant 0 : i32
    %dma_wait3A_217 = tpu.memref_slice %arg3[%add3A_175, %dma_wait3A_216] : memref<16384x1000xf32, #tpu.memory_space<hbm>> -> memref<32x1000xf32, #tpu.memory_space<hbm>>
    tpu.wait_dma2 semaphore(%arg8 : memref<!tpu.dma_semaphore, #tpu.memory_space<semaphore_mem>>) src(%arg6 : memref<32x1000xf32, #tpu.memory_space<vmem>>) dst(%dma_wait3A_217 : memref<32x1000xf32, #tpu.memory_space<hbm>>)
    %get3A_218 = arith.constant 160 : index
    %get3A_219 = tpu.vector_load %arg4[%get3A_218] {strides = array<i32>} : memref<512xi32, #tpu.memory_space<vmem>>, vector<16xi32>,
    %iota3A_220 = tpu.iota {dimensions = array<i32: 0>} : vector<16xi32>
    %add3A_221 = arith.constant 0 : i32
    %add3A_222 = vector.broadcast %add3A_221 : i32 to vector<16xi32>
    %add3A_223 = arith.addi %iota3A_220, %add3A_222 : vector<16xi32>
    tpu.vector_store_idx %arg6[%add3A_223, %get3A_219], %broadcast_in_dim3A_3 : memref<32x1000xf32, #tpu.memory_space<vmem>>[vector<16xi32>, vector<16xi32>], vector<16xf32>,
    %get3A_224 = arith.constant 176 : index
    %get3A_225 = tpu.vector_load %arg4[%get3A_224] {strides = array<i32>} : memref<512xi32, #tpu.memory_space<vmem>>, vector<16xi32>,
    %iota3A_226 = tpu.iota {dimensions = array<i32: 0>} : vector<16xi32>
    %add3A_227 = arith.constant 16 : i32
    %add3A_228 = vector.broadcast %add3A_227 : i32 to vector<16xi32>
    %add3A_229 = arith.addi %iota3A_226, %add3A_228 : vector<16xi32>
    tpu.vector_store_idx %arg6[%add3A_229, %get3A_225], %broadcast_in_dim3A_3 : memref<32x1000xf32, #tpu.memory_space<vmem>>[vector<16xi32>, vector<16xi32>], vector<16xf32>,
    %get3A_230 = arith.constant 224 : index
    %get3A_231 = tpu.vector_load %arg4[%get3A_230] {strides = array<i32>} : memref<512xi32, #tpu.memory_space<vmem>>, vector<16xi32>,
    %iota3A_232 = tpu.iota {dimensions = array<i32: 0>} : vector<16xi32>
    %add3A_233 = arith.constant 0 : i32
    %add3A_234 = vector.broadcast %add3A_233 : i32 to vector<16xi32>
    %add3A_235 = arith.addi %iota3A_232, %add3A_234 : vector<16xi32>
    tpu.vector_store_idx %arg6[%add3A_235, %get3A_231], %broadcast_in_dim3A_5 : memref<32x1000xf32, #tpu.memory_space<vmem>>[vector<16xi32>, vector<16xi32>], vector<16xf32>,
    %get3A_236 = arith.constant 240 : index
    %get3A_237 = tpu.vector_load %arg4[%get3A_236] {strides = array<i32>} : memref<512xi32, #tpu.memory_space<vmem>>, vector<16xi32>,
    %iota3A_238 = tpu.iota {dimensions = array<i32: 0>} : vector<16xi32>
    %add3A_239 = arith.constant 16 : i32
    %add3A_240 = vector.broadcast %add3A_239 : i32 to vector<16xi32>
    %add3A_241 = arith.addi %iota3A_238, %add3A_240 : vector<16xi32>
    tpu.vector_store_idx %arg6[%add3A_241, %get3A_237], %broadcast_in_dim3A_5 : memref<32x1000xf32, #tpu.memory_space<vmem>>[vector<16xi32>, vector<16xi32>], vector<16xf32>,
    %add3A_242 = arith.constant 224 : i32
    %add3A_243 = arith.addi %mul3A_2, %add3A_242 : i32
    %dma_start3A_244 = arith.constant 0 : i32
    %dma_start3A_245 = tpu.memref_slice %arg3[%add3A_243, %dma_start3A_244] : memref<16384x1000xf32, #tpu.memory_space<hbm>> -> memref<32x1000xf32, #tpu.memory_space<hbm>>
    %dma_start3A_246 = arith.constant 0 : i32
    %dma_start3A_247 = tpu.memref_slice %arg3[%add3A_243, %dma_start3A_246] : memref<16384x1000xf32, #tpu.memory_space<hbm>> -> memref<32x1000xf32, #tpu.memory_space<hbm>>
    tpu.enqueue_dma source(%arg6 : memref<32x1000xf32, #tpu.memory_space<vmem>>) target(%dma_start3A_247 : memref<32x1000xf32, #tpu.memory_space<hbm>>) target_semaphore(%arg8 : memref<!tpu.dma_semaphore, #tpu.memory_space<semaphore_mem>>)
    %dma_wait3A_248 = arith.constant 0 : i32
    %dma_wait3A_249 = tpu.memref_slice %arg3[%add3A_209, %dma_wait3A_248] : memref<16384x1000xf32, #tpu.memory_space<hbm>> -> memref<32x1000xf32, #tpu.memory_space<hbm>>
    %dma_wait3A_250 = arith.constant 0 : i32
    %dma_wait3A_251 = tpu.memref_slice %arg3[%add3A_209, %dma_wait3A_250] : memref<16384x1000xf32, #tpu.memory_space<hbm>> -> memref<32x1000xf32, #tpu.memory_space<hbm>>
    tpu.wait_dma2 semaphore(%arg7 : memref<!tpu.dma_semaphore, #tpu.memory_space<semaphore_mem>>) src(%arg5 : memref<32x1000xf32, #tpu.memory_space<vmem>>) dst(%dma_wait3A_251 : memref<32x1000xf32, #tpu.memory_space<hbm>>)
    %get3A_252 = arith.constant 192 : index
    %get3A_253 = tpu.vector_load %arg4[%get3A_252] {strides = array<i32>} : memref<512xi32, #tpu.memory_space<vmem>>, vector<16xi32>,
    %iota3A_254 = tpu.iota {dimensions = array<i32: 0>} : vector<16xi32>
    %add3A_255 = arith.constant 0 : i32
    %add3A_256 = vector.broadcast %add3A_255 : i32 to vector<16xi32>
    %add3A_257 = arith.addi %iota3A_254, %add3A_256 : vector<16xi32>
    tpu.vector_store_idx %arg5[%add3A_257, %get3A_253], %broadcast_in_dim3A_3 : memref<32x1000xf32, #tpu.memory_space<vmem>>[vector<16xi32>, vector<16xi32>], vector<16xf32>,
    %get3A_258 = arith.constant 208 : index
    %get3A_259 = tpu.vector_load %arg4[%get3A_258] {strides = array<i32>} : memref<512xi32, #tpu.memory_space<vmem>>, vector<16xi32>,
    %iota3A_260 = tpu.iota {dimensions = array<i32: 0>} : vector<16xi32>
    %add3A_261 = arith.constant 16 : i32
    %add3A_262 = vector.broadcast %add3A_261 : i32 to vector<16xi32>
    %add3A_263 = arith.addi %iota3A_260, %add3A_262 : vector<16xi32>
    tpu.vector_store_idx %arg5[%add3A_263, %get3A_259], %broadcast_in_dim3A_3 : memref<32x1000xf32, #tpu.memory_space<vmem>>[vector<16xi32>, vector<16xi32>], vector<16xf32>,
    %get3A_264 = arith.constant 256 : index
    %get3A_265 = tpu.vector_load %arg4[%get3A_264] {strides = array<i32>} : memref<512xi32, #tpu.memory_space<vmem>>, vector<16xi32>,
    %iota3A_266 = tpu.iota {dimensions = array<i32: 0>} : vector<16xi32>
    %add3A_267 = arith.constant 0 : i32
    %add3A_268 = vector.broadcast %add3A_267 : i32 to vector<16xi32>
    %add3A_269 = arith.addi %iota3A_266, %add3A_268 : vector<16xi32>
    tpu.vector_store_idx %arg5[%add3A_269, %get3A_265], %broadcast_in_dim3A_5 : memref<32x1000xf32, #tpu.memory_space<vmem>>[vector<16xi32>, vector<16xi32>], vector<16xf32>,
    %get3A_270 = arith.constant 272 : index
    %get3A_271 = tpu.vector_load %arg4[%get3A_270] {strides = array<i32>} : memref<512xi32, #tpu.memory_space<vmem>>, vector<16xi32>,
    %iota3A_272 = tpu.iota {dimensions = array<i32: 0>} : vector<16xi32>
    %add3A_273 = arith.constant 16 : i32
    %add3A_274 = vector.broadcast %add3A_273 : i32 to vector<16xi32>
    %add3A_275 = arith.addi %iota3A_272, %add3A_274 : vector<16xi32>
    tpu.vector_store_idx %arg5[%add3A_275, %get3A_271], %broadcast_in_dim3A_5 : memref<32x1000xf32, #tpu.memory_space<vmem>>[vector<16xi32>, vector<16xi32>], vector<16xf32>,
    %add3A_276 = arith.constant 256 : i32
    %add3A_277 = arith.addi %mul3A_2, %add3A_276 : i32
    %dma_start3A_278 = arith.constant 0 : i32
    %dma_start3A_279 = tpu.memref_slice %arg3[%add3A_277, %dma_start3A_278] : memref<16384x1000xf32, #tpu.memory_space<hbm>> -> memref<32x1000xf32, #tpu.memory_space<hbm>>
    %dma_start3A_280 = arith.constant 0 : i32
    %dma_start3A_281 = tpu.memref_slice %arg3[%add3A_277, %dma_start3A_280] : memref<16384x1000xf32, #tpu.memory_space<hbm>> -> memref<32x1000xf32, #tpu.memory_space<hbm>>
    tpu.enqueue_dma source(%arg5 : memref<32x1000xf32, #tpu.memory_space<vmem>>) target(%dma_start3A_281 : memref<32x1000xf32, #tpu.memory_space<hbm>>) target_semaphore(%arg7 : memref<!tpu.dma_semaphore, #tpu.memory_space<semaphore_mem>>)
    %dma_wait3A_282 = arith.constant 0 : i32
    %dma_wait3A_283 = tpu.memref_slice %arg3[%add3A_243, %dma_wait3A_282] : memref<16384x1000xf32, #tpu.memory_space<hbm>> -> memref<32x1000xf32, #tpu.memory_space<hbm>>
    %dma_wait3A_284 = arith.constant 0 : i32
    %dma_wait3A_285 = tpu.memref_slice %arg3[%add3A_243, %dma_wait3A_284] : memref<16384x1000xf32, #tpu.memory_space<hbm>> -> memref<32x1000xf32, #tpu.memory_space<hbm>>
    tpu.wait_dma2 semaphore(%arg8 : memref<!tpu.dma_semaphore, #tpu.memory_space<semaphore_mem>>) src(%arg6 : memref<32x1000xf32, #tpu.memory_space<vmem>>) dst(%dma_wait3A_285 : memref<32x1000xf32, #tpu.memory_space<hbm>>)
    %get3A_286 = arith.constant 224 : index
    %get3A_287 = tpu.vector_load %arg4[%get3A_286] {strides = array<i32>} : memref<512xi32, #tpu.memory_space<vmem>>, vector<16xi32>,
    %iota3A_288 = tpu.iota {dimensions = array<i32: 0>} : vector<16xi32>
    %add3A_289 = arith.constant 0 : i32
    %add3A_290 = vector.broadcast %add3A_289 : i32 to vector<16xi32>
    %add3A_291 = arith.addi %iota3A_288, %add3A_290 : vector<16xi32>
    tpu.vector_store_idx %arg6[%add3A_291, %get3A_287], %broadcast_in_dim3A_3 : memref<32x1000xf32, #tpu.memory_space<vmem>>[vector<16xi32>, vector<16xi32>], vector<16xf32>,
    %get3A_292 = arith.constant 240 : index
    %get3A_293 = tpu.vector_load %arg4[%get3A_292] {strides = array<i32>} : memref<512xi32, #tpu.memory_space<vmem>>, vector<16xi32>,
    %iota3A_294 = tpu.iota {dimensions = array<i32: 0>} : vector<16xi32>
    %add3A_295 = arith.constant 16 : i32
    %add3A_296 = vector.broadcast %add3A_295 : i32 to vector<16xi32>
    %add3A_297 = arith.addi %iota3A_294, %add3A_296 : vector<16xi32>
    tpu.vector_store_idx %arg6[%add3A_297, %get3A_293], %broadcast_in_dim3A_3 : memref<32x1000xf32, #tpu.memory_space<vmem>>[vector<16xi32>, vector<16xi32>], vector<16xf32>,
    %get3A_298 = arith.constant 288 : index
    %get3A_299 = tpu.vector_load %arg4[%get3A_298] {strides = array<i32>} : memref<512xi32, #tpu.memory_space<vmem>>, vector<16xi32>,
    %iota3A_300 = tpu.iota {dimensions = array<i32: 0>} : vector<16xi32>
    %add3A_301 = arith.constant 0 : i32
    %add3A_302 = vector.broadcast %add3A_301 : i32 to vector<16xi32>
    %add3A_303 = arith.addi %iota3A_300, %add3A_302 : vector<16xi32>
    tpu.vector_store_idx %arg6[%add3A_303, %get3A_299], %broadcast_in_dim3A_5 : memref<32x1000xf32, #tpu.memory_space<vmem>>[vector<16xi32>, vector<16xi32>], vector<16xf32>,
    %get3A_304 = arith.constant 304 : index
    %get3A_305 = tpu.vector_load %arg4[%get3A_304] {strides = array<i32>} : memref<512xi32, #tpu.memory_space<vmem>>, vector<16xi32>,
    %iota3A_306 = tpu.iota {dimensions = array<i32: 0>} : vector<16xi32>
    %add3A_307 = arith.constant 16 : i32
    %add3A_308 = vector.broadcast %add3A_307 : i32 to vector<16xi32>
    %add3A_309 = arith.addi %iota3A_306, %add3A_308 : vector<16xi32>
    tpu.vector_store_idx %arg6[%add3A_309, %get3A_305], %broadcast_in_dim3A_5 : memref<32x1000xf32, #tpu.memory_space<vmem>>[vector<16xi32>, vector<16xi32>], vector<16xf32>,
    %add3A_310 = arith.constant 288 : i32
    %add3A_311 = arith.addi %mul3A_2, %add3A_310 : i32
    %dma_start3A_312 = arith.constant 0 : i32
    %dma_start3A_313 = tpu.memref_slice %arg3[%add3A_311, %dma_start3A_312] : memref<16384x1000xf32, #tpu.memory_space<hbm>> -> memref<32x1000xf32, #tpu.memory_space<hbm>>
    %dma_start3A_314 = arith.constant 0 : i32
    %dma_start3A_315 = tpu.memref_slice %arg3[%add3A_311, %dma_start3A_314] : memref<16384x1000xf32, #tpu.memory_space<hbm>> -> memref<32x1000xf32, #tpu.memory_space<hbm>>
    tpu.enqueue_dma source(%arg6 : memref<32x1000xf32, #tpu.memory_space<vmem>>) target(%dma_start3A_315 : memref<32x1000xf32, #tpu.memory_space<hbm>>) target_semaphore(%arg8 : memref<!tpu.dma_semaphore, #tpu.memory_space<semaphore_mem>>)
    %dma_wait3A_316 = arith.constant 0 : i32
    %dma_wait3A_317 = tpu.memref_slice %arg3[%add3A_277, %dma_wait3A_316] : memref<16384x1000xf32, #tpu.memory_space<hbm>> -> memref<32x1000xf32, #tpu.memory_space<hbm>>
    %dma_wait3A_318 = arith.constant 0 : i32
    %dma_wait3A_319 = tpu.memref_slice %arg3[%add3A_277, %dma_wait3A_318] : memref<16384x1000xf32, #tpu.memory_space<hbm>> -> memref<32x1000xf32, #tpu.memory_space<hbm>>
    tpu.wait_dma2 semaphore(%arg7 : memref<!tpu.dma_semaphore, #tpu.memory_space<semaphore_mem>>) src(%arg5 : memref<32x1000xf32, #tpu.memory_space<vmem>>) dst(%dma_wait3A_319 : memref<32x1000xf32, #tpu.memory_space<hbm>>)
    %get3A_320 = arith.constant 256 : index
    %get3A_321 = tpu.vector_load %arg4[%get3A_320] {strides = array<i32>} : memref<512xi32, #tpu.memory_space<vmem>>, vector<16xi32>,
    %iota3A_322 = tpu.iota {dimensions = array<i32: 0>} : vector<16xi32>
    %add3A_323 = arith.constant 0 : i32
    %add3A_324 = vector.broadcast %add3A_323 : i32 to vector<16xi32>
    %add3A_325 = arith.addi %iota3A_322, %add3A_324 : vector<16xi32>
    tpu.vector_store_idx %arg5[%add3A_325, %get3A_321], %broadcast_in_dim3A_3 : memref<32x1000xf32, #tpu.memory_space<vmem>>[vector<16xi32>, vector<16xi32>], vector<16xf32>,
    %get3A_326 = arith.constant 272 : index
    %get3A_327 = tpu.vector_load %arg4[%get3A_326] {strides = array<i32>} : memref<512xi32, #tpu.memory_space<vmem>>, vector<16xi32>,
    %iota3A_328 = tpu.iota {dimensions = array<i32: 0>} : vector<16xi32>
    %add3A_329 = arith.constant 16 : i32
    %add3A_330 = vector.broadcast %add3A_329 : i32 to vector<16xi32>
    %add3A_331 = arith.addi %iota3A_328, %add3A_330 : vector<16xi32>
    tpu.vector_store_idx %arg5[%add3A_331, %get3A_327], %broadcast_in_dim3A_3 : memref<32x1000xf32, #tpu.memory_space<vmem>>[vector<16xi32>, vector<16xi32>], vector<16xf32>,
    %get3A_332 = arith.constant 320 : index
    %get3A_333 = tpu.vector_load %arg4[%get3A_332] {strides = array<i32>} : memref<512xi32, #tpu.memory_space<vmem>>, vector<16xi32>,
    %iota3A_334 = tpu.iota {dimensions = array<i32: 0>} : vector<16xi32>
    %add3A_335 = arith.constant 0 : i32
    %add3A_336 = vector.broadcast %add3A_335 : i32 to vector<16xi32>
    %add3A_337 = arith.addi %iota3A_334, %add3A_336 : vector<16xi32>
    tpu.vector_store_idx %arg5[%add3A_337, %get3A_333], %broadcast_in_dim3A_5 : memref<32x1000xf32, #tpu.memory_space<vmem>>[vector<16xi32>, vector<16xi32>], vector<16xf32>,
    %get3A_338 = arith.constant 336 : index
    %get3A_339 = tpu.vector_load %arg4[%get3A_338] {strides = array<i32>} : memref<512xi32, #tpu.memory_space<vmem>>, vector<16xi32>,
    %iota3A_340 = tpu.iota {dimensions = array<i32: 0>} : vector<16xi32>
    %add3A_341 = arith.constant 16 : i32
    %add3A_342 = vector.broadcast %add3A_341 : i32 to vector<16xi32>
    %add3A_343 = arith.addi %iota3A_340, %add3A_342 : vector<16xi32>
    tpu.vector_store_idx %arg5[%add3A_343, %get3A_339], %broadcast_in_dim3A_5 : memref<32x1000xf32, #tpu.memory_space<vmem>>[vector<16xi32>, vector<16xi32>], vector<16xf32>,
    %add3A_344 = arith.constant 320 : i32
    %add3A_345 = arith.addi %mul3A_2, %add3A_344 : i32
    %dma_start3A_346 = arith.constant 0 : i32
    %dma_start3A_347 = tpu.memref_slice %arg3[%add3A_345, %dma_start3A_346] : memref<16384x1000xf32, #tpu.memory_space<hbm>> -> memref<32x1000xf32, #tpu.memory_space<hbm>>
    %dma_start3A_348 = arith.constant 0 : i32
    %dma_start3A_349 = tpu.memref_slice %arg3[%add3A_345, %dma_start3A_348] : memref<16384x1000xf32, #tpu.memory_space<hbm>> -> memref<32x1000xf32, #tpu.memory_space<hbm>>
    tpu.enqueue_dma source(%arg5 : memref<32x1000xf32, #tpu.memory_space<vmem>>) target(%dma_start3A_349 : memref<32x1000xf32, #tpu.memory_space<hbm>>) target_semaphore(%arg7 : memref<!tpu.dma_semaphore, #tpu.memory_space<semaphore_mem>>)
    %dma_wait3A_350 = arith.constant 0 : i32
    %dma_wait3A_351 = tpu.memref_slice %arg3[%add3A_311, %dma_wait3A_350] : memref<16384x1000xf32, #tpu.memory_space<hbm>> -> memref<32x1000xf32, #tpu.memory_space<hbm>>
    %dma_wait3A_352 = arith.constant 0 : i32
    %dma_wait3A_353 = tpu.memref_slice %arg3[%add3A_311, %dma_wait3A_352] : memref<16384x1000xf32, #tpu.memory_space<hbm>> -> memref<32x1000xf32, #tpu.memory_space<hbm>>
    tpu.wait_dma2 semaphore(%arg8 : memref<!tpu.dma_semaphore, #tpu.memory_space<semaphore_mem>>) src(%arg6 : memref<32x1000xf32, #tpu.memory_space<vmem>>) dst(%dma_wait3A_353 : memref<32x1000xf32, #tpu.memory_space<hbm>>)
    %get3A_354 = arith.constant 288 : index
    %get3A_355 = tpu.vector_load %arg4[%get3A_354] {strides = array<i32>} : memref<512xi32, #tpu.memory_space<vmem>>, vector<16xi32>,
    %iota3A_356 = tpu.iota {dimensions = array<i32: 0>} : vector<16xi32>
    %add3A_357 = arith.constant 0 : i32
    %add3A_358 = vector.broadcast %add3A_357 : i32 to vector<16xi32>
    %add3A_359 = arith.addi %iota3A_356, %add3A_358 : vector<16xi32>
    tpu.vector_store_idx %arg6[%add3A_359, %get3A_355], %broadcast_in_dim3A_3 : memref<32x1000xf32, #tpu.memory_space<vmem>>[vector<16xi32>, vector<16xi32>], vector<16xf32>,
    %get3A_360 = arith.constant 304 : index
    %get3A_361 = tpu.vector_load %arg4[%get3A_360] {strides = array<i32>} : memref<512xi32, #tpu.memory_space<vmem>>, vector<16xi32>,
    %iota3A_362 = tpu.iota {dimensions = array<i32: 0>} : vector<16xi32>
    %add3A_363 = arith.constant 16 : i32
    %add3A_364 = vector.broadcast %add3A_363 : i32 to vector<16xi32>
    %add3A_365 = arith.addi %iota3A_362, %add3A_364 : vector<16xi32>
    tpu.vector_store_idx %arg6[%add3A_365, %get3A_361], %broadcast_in_dim3A_3 : memref<32x1000xf32, #tpu.memory_space<vmem>>[vector<16xi32>, vector<16xi32>], vector<16xf32>,
    %get3A_366 = arith.constant 352 : index
    %get3A_367 = tpu.vector_load %arg4[%get3A_366] {strides = array<i32>} : memref<512xi32, #tpu.memory_space<vmem>>, vector<16xi32>,
    %iota3A_368 = tpu.iota {dimensions = array<i32: 0>} : vector<16xi32>
    %add3A_369 = arith.constant 0 : i32
    %add3A_370 = vector.broadcast %add3A_369 : i32 to vector<16xi32>
    %add3A_371 = arith.addi %iota3A_368, %add3A_370 : vector<16xi32>
    tpu.vector_store_idx %arg6[%add3A_371, %get3A_367], %broadcast_in_dim3A_5 : memref<32x1000xf32, #tpu.memory_space<vmem>>[vector<16xi32>, vector<16xi32>], vector<16xf32>,
    %get3A_372 = arith.constant 368 : index
    %get3A_373 = tpu.vector_load %arg4[%get3A_372] {strides = array<i32>} : memref<512xi32, #tpu.memory_space<vmem>>, vector<16xi32>,
    %iota3A_374 = tpu.iota {dimensions = array<i32: 0>} : vector<16xi32>
    %add3A_375 = arith.constant 16 : i32
    %add3A_376 = vector.broadcast %add3A_375 : i32 to vector<16xi32>
    %add3A_377 = arith.addi %iota3A_374, %add3A_376 : vector<16xi32>
    tpu.vector_store_idx %arg6[%add3A_377, %get3A_373], %broadcast_in_dim3A_5 : memref<32x1000xf32, #tpu.memory_space<vmem>>[vector<16xi32>, vector<16xi32>], vector<16xf32>,
    %add3A_378 = arith.constant 352 : i32
    %add3A_379 = arith.addi %mul3A_2, %add3A_378 : i32
    %dma_start3A_380 = arith.constant 0 : i32
    %dma_start3A_381 = tpu.memref_slice %arg3[%add3A_379, %dma_start3A_380] : memref<16384x1000xf32, #tpu.memory_space<hbm>> -> memref<32x1000xf32, #tpu.memory_space<hbm>>
    %dma_start3A_382 = arith.constant 0 : i32
    %dma_start3A_383 = tpu.memref_slice %arg3[%add3A_379, %dma_start3A_382] : memref<16384x1000xf32, #tpu.memory_space<hbm>> -> memref<32x1000xf32, #tpu.memory_space<hbm>>
    tpu.enqueue_dma source(%arg6 : memref<32x1000xf32, #tpu.memory_space<vmem>>) target(%dma_start3A_383 : memref<32x1000xf32, #tpu.memory_space<hbm>>) target_semaphore(%arg8 : memref<!tpu.dma_semaphore, #tpu.memory_space<semaphore_mem>>)
    %dma_wait3A_384 = arith.constant 0 : i32
    %dma_wait3A_385 = tpu.memref_slice %arg3[%add3A_345, %dma_wait3A_384] : memref<16384x1000xf32, #tpu.memory_space<hbm>> -> memref<32x1000xf32, #tpu.memory_space<hbm>>
    %dma_wait3A_386 = arith.constant 0 : i32
    %dma_wait3A_387 = tpu.memref_slice %arg3[%add3A_345, %dma_wait3A_386] : memref<16384x1000xf32, #tpu.memory_space<hbm>> -> memref<32x1000xf32, #tpu.memory_space<hbm>>
    tpu.wait_dma2 semaphore(%arg7 : memref<!tpu.dma_semaphore, #tpu.memory_space<semaphore_mem>>) src(%arg5 : memref<32x1000xf32, #tpu.memory_space<vmem>>) dst(%dma_wait3A_387 : memref<32x1000xf32, #tpu.memory_space<hbm>>)
    %get3A_388 = arith.constant 320 : index
    %get3A_389 = tpu.vector_load %arg4[%get3A_388] {strides = array<i32>} : memref<512xi32, #tpu.memory_space<vmem>>, vector<16xi32>,
    %iota3A_390 = tpu.iota {dimensions = array<i32: 0>} : vector<16xi32>
    %add3A_391 = arith.constant 0 : i32
    %add3A_392 = vector.broadcast %add3A_391 : i32 to vector<16xi32>
    %add3A_393 = arith.addi %iota3A_390, %add3A_392 : vector<16xi32>
    tpu.vector_store_idx %arg5[%add3A_393, %get3A_389], %broadcast_in_dim3A_3 : memref<32x1000xf32, #tpu.memory_space<vmem>>[vector<16xi32>, vector<16xi32>], vector<16xf32>,
    %get3A_394 = arith.constant 336 : index
    %get3A_395 = tpu.vector_load %arg4[%get3A_394] {strides = array<i32>} : memref<512xi32, #tpu.memory_space<vmem>>, vector<16xi32>,
    %iota3A_396 = tpu.iota {dimensions = array<i32: 0>} : vector<16xi32>
    %add3A_397 = arith.constant 16 : i32
    %add3A_398 = vector.broadcast %add3A_397 : i32 to vector<16xi32>
    %add3A_399 = arith.addi %iota3A_396, %add3A_398 : vector<16xi32>
    tpu.vector_store_idx %arg5[%add3A_399, %get3A_395], %broadcast_in_dim3A_3 : memref<32x1000xf32, #tpu.memory_space<vmem>>[vector<16xi32>, vector<16xi32>], vector<16xf32>,
    %get3A_400 = arith.constant 384 : index
    %get3A_401 = tpu.vector_load %arg4[%get3A_400] {strides = array<i32>} : memref<512xi32, #tpu.memory_space<vmem>>, vector<16xi32>,
    %iota3A_402 = tpu.iota {dimensions = array<i32: 0>} : vector<16xi32>
    %add3A_403 = arith.constant 0 : i32
    %add3A_404 = vector.broadcast %add3A_403 : i32 to vector<16xi32>
    %add3A_405 = arith.addi %iota3A_402, %add3A_404 : vector<16xi32>
    tpu.vector_store_idx %arg5[%add3A_405, %get3A_401], %broadcast_in_dim3A_5 : memref<32x1000xf32, #tpu.memory_space<vmem>>[vector<16xi32>, vector<16xi32>], vector<16xf32>,
    %get3A_406 = arith.constant 400 : index
    %get3A_407 = tpu.vector_load %arg4[%get3A_406] {strides = array<i32>} : memref<512xi32, #tpu.memory_space<vmem>>, vector<16xi32>,
    %iota3A_408 = tpu.iota {dimensions = array<i32: 0>} : vector<16xi32>
    %add3A_409 = arith.constant 16 : i32
    %add3A_410 = vector.broadcast %add3A_409 : i32 to vector<16xi32>
    %add3A_411 = arith.addi %iota3A_408, %add3A_410 : vector<16xi32>
    tpu.vector_store_idx %arg5[%add3A_411, %get3A_407], %broadcast_in_dim3A_5 : memref<32x1000xf32, #tpu.memory_space<vmem>>[vector<16xi32>, vector<16xi32>], vector<16xf32>,
    %add3A_412 = arith.constant 384 : i32
    %add3A_413 = arith.addi %mul3A_2, %add3A_412 : i32
    %dma_start3A_414 = arith.constant 0 : i32
    %dma_start3A_415 = tpu.memref_slice %arg3[%add3A_413, %dma_start3A_414] : memref<16384x1000xf32, #tpu.memory_space<hbm>> -> memref<32x1000xf32, #tpu.memory_space<hbm>>
    %dma_start3A_416 = arith.constant 0 : i32
    %dma_start3A_417 = tpu.memref_slice %arg3[%add3A_413, %dma_start3A_416] : memref<16384x1000xf32, #tpu.memory_space<hbm>> -> memref<32x1000xf32, #tpu.memory_space<hbm>>
    tpu.enqueue_dma source(%arg5 : memref<32x1000xf32, #tpu.memory_space<vmem>>) target(%dma_start3A_417 : memref<32x1000xf32, #tpu.memory_space<hbm>>) target_semaphore(%arg7 : memref<!tpu.dma_semaphore, #tpu.memory_space<semaphore_mem>>)
    %dma_wait3A_418 = arith.constant 0 : i32
    %dma_wait3A_419 = tpu.memref_slice %arg3[%add3A_379, %dma_wait3A_418] : memref<16384x1000xf32, #tpu.memory_space<hbm>> -> memref<32x1000xf32, #tpu.memory_space<hbm>>
    %dma_wait3A_420 = arith.constant 0 : i32
    %dma_wait3A_421 = tpu.memref_slice %arg3[%add3A_379, %dma_wait3A_420] : memref<16384x1000xf32, #tpu.memory_space<hbm>> -> memref<32x1000xf32, #tpu.memory_space<hbm>>
    tpu.wait_dma2 semaphore(%arg8 : memref<!tpu.dma_semaphore, #tpu.memory_space<semaphore_mem>>) src(%arg6 : memref<32x1000xf32, #tpu.memory_space<vmem>>) dst(%dma_wait3A_421 : memref<32x1000xf32, #tpu.memory_space<hbm>>)
    %get3A_422 = arith.constant 352 : index
    %get3A_423 = tpu.vector_load %arg4[%get3A_422] {strides = array<i32>} : memref<512xi32, #tpu.memory_space<vmem>>, vector<16xi32>,
    %iota3A_424 = tpu.iota {dimensions = array<i32: 0>} : vector<16xi32>
    %add3A_425 = arith.constant 0 : i32
    %add3A_426 = vector.broadcast %add3A_425 : i32 to vector<16xi32>
    %add3A_427 = arith.addi %iota3A_424, %add3A_426 : vector<16xi32>
    tpu.vector_store_idx %arg6[%add3A_427, %get3A_423], %broadcast_in_dim3A_3 : memref<32x1000xf32, #tpu.memory_space<vmem>>[vector<16xi32>, vector<16xi32>], vector<16xf32>,
    %get3A_428 = arith.constant 368 : index
    %get3A_429 = tpu.vector_load %arg4[%get3A_428] {strides = array<i32>} : memref<512xi32, #tpu.memory_space<vmem>>, vector<16xi32>,
    %iota3A_430 = tpu.iota {dimensions = array<i32: 0>} : vector<16xi32>
    %add3A_431 = arith.constant 16 : i32
    %add3A_432 = vector.broadcast %add3A_431 : i32 to vector<16xi32>
    %add3A_433 = arith.addi %iota3A_430, %add3A_432 : vector<16xi32>
    tpu.vector_store_idx %arg6[%add3A_433, %get3A_429], %broadcast_in_dim3A_3 : memref<32x1000xf32, #tpu.memory_space<vmem>>[vector<16xi32>, vector<16xi32>], vector<16xf32>,
    %get3A_434 = arith.constant 416 : index
    %get3A_435 = tpu.vector_load %arg4[%get3A_434] {strides = array<i32>} : memref<512xi32, #tpu.memory_space<vmem>>, vector<16xi32>,
    %iota3A_436 = tpu.iota {dimensions = array<i32: 0>} : vector<16xi32>
    %add3A_437 = arith.constant 0 : i32
    %add3A_438 = vector.broadcast %add3A_437 : i32 to vector<16xi32>
    %add3A_439 = arith.addi %iota3A_436, %add3A_438 : vector<16xi32>
    tpu.vector_store_idx %arg6[%add3A_439, %get3A_435], %broadcast_in_dim3A_5 : memref<32x1000xf32, #tpu.memory_space<vmem>>[vector<16xi32>, vector<16xi32>], vector<16xf32>,
    %get3A_440 = arith.constant 432 : index
    %get3A_441 = tpu.vector_load %arg4[%get3A_440] {strides = array<i32>} : memref<512xi32, #tpu.memory_space<vmem>>, vector<16xi32>,
    %iota3A_442 = tpu.iota {dimensions = array<i32: 0>} : vector<16xi32>
    %add3A_443 = arith.constant 16 : i32
    %add3A_444 = vector.broadcast %add3A_443 : i32 to vector<16xi32>
    %add3A_445 = arith.addi %iota3A_442, %add3A_444 : vector<16xi32>
    tpu.vector_store_idx %arg6[%add3A_445, %get3A_441], %broadcast_in_dim3A_5 : memref<32x1000xf32, #tpu.memory_space<vmem>>[vector<16xi32>, vector<16xi32>], vector<16xf32>,
    %add3A_446 = arith.constant 416 : i32
    %add3A_447 = arith.addi %mul3A_2, %add3A_446 : i32
    %dma_start3A_448 = arith.constant 0 : i32
    %dma_start3A_449 = tpu.memref_slice %arg3[%add3A_447, %dma_start3A_448] : memref<16384x1000xf32, #tpu.memory_space<hbm>> -> memref<32x1000xf32, #tpu.memory_space<hbm>>
    %dma_start3A_450 = arith.constant 0 : i32
    %dma_start3A_451 = tpu.memref_slice %arg3[%add3A_447, %dma_start3A_450] : memref<16384x1000xf32, #tpu.memory_space<hbm>> -> memref<32x1000xf32, #tpu.memory_space<hbm>>
    tpu.enqueue_dma source(%arg6 : memref<32x1000xf32, #tpu.memory_space<vmem>>) target(%dma_start3A_451 : memref<32x1000xf32, #tpu.memory_space<hbm>>) target_semaphore(%arg8 : memref<!tpu.dma_semaphore, #tpu.memory_space<semaphore_mem>>)
    %dma_wait3A_452 = arith.constant 0 : i32
    %dma_wait3A_453 = tpu.memref_slice %arg3[%add3A_413, %dma_wait3A_452] : memref<16384x1000xf32, #tpu.memory_space<hbm>> -> memref<32x1000xf32, #tpu.memory_space<hbm>>
    %dma_wait3A_454 = arith.constant 0 : i32
    %dma_wait3A_455 = tpu.memref_slice %arg3[%add3A_413, %dma_wait3A_454] : memref<16384x1000xf32, #tpu.memory_space<hbm>> -> memref<32x1000xf32, #tpu.memory_space<hbm>>
    tpu.wait_dma2 semaphore(%arg7 : memref<!tpu.dma_semaphore, #tpu.memory_space<semaphore_mem>>) src(%arg5 : memref<32x1000xf32, #tpu.memory_space<vmem>>) dst(%dma_wait3A_455 : memref<32x1000xf32, #tpu.memory_space<hbm>>)
    %get3A_456 = arith.constant 384 : index
    %get3A_457 = tpu.vector_load %arg4[%get3A_456] {strides = array<i32>} : memref<512xi32, #tpu.memory_space<vmem>>, vector<16xi32>,
    %iota3A_458 = tpu.iota {dimensions = array<i32: 0>} : vector<16xi32>
    %add3A_459 = arith.constant 0 : i32
    %add3A_460 = vector.broadcast %add3A_459 : i32 to vector<16xi32>
    %add3A_461 = arith.addi %iota3A_458, %add3A_460 : vector<16xi32>
    tpu.vector_store_idx %arg5[%add3A_461, %get3A_457], %broadcast_in_dim3A_3 : memref<32x1000xf32, #tpu.memory_space<vmem>>[vector<16xi32>, vector<16xi32>], vector<16xf32>,
    %get3A_462 = arith.constant 400 : index
    %get3A_463 = tpu.vector_load %arg4[%get3A_462] {strides = array<i32>} : memref<512xi32, #tpu.memory_space<vmem>>, vector<16xi32>,
    %iota3A_464 = tpu.iota {dimensions = array<i32: 0>} : vector<16xi32>
    %add3A_465 = arith.constant 16 : i32
    %add3A_466 = vector.broadcast %add3A_465 : i32 to vector<16xi32>
    %add3A_467 = arith.addi %iota3A_464, %add3A_466 : vector<16xi32>
    tpu.vector_store_idx %arg5[%add3A_467, %get3A_463], %broadcast_in_dim3A_3 : memref<32x1000xf32, #tpu.memory_space<vmem>>[vector<16xi32>, vector<16xi32>], vector<16xf32>,
    %get3A_468 = arith.constant 448 : index
    %get3A_469 = tpu.vector_load %arg4[%get3A_468] {strides = array<i32>} : memref<512xi32, #tpu.memory_space<vmem>>, vector<16xi32>,
    %iota3A_470 = tpu.iota {dimensions = array<i32: 0>} : vector<16xi32>
    %add3A_471 = arith.constant 0 : i32
    %add3A_472 = vector.broadcast %add3A_471 : i32 to vector<16xi32>
    %add3A_473 = arith.addi %iota3A_470, %add3A_472 : vector<16xi32>
    tpu.vector_store_idx %arg5[%add3A_473, %get3A_469], %broadcast_in_dim3A_5 : memref<32x1000xf32, #tpu.memory_space<vmem>>[vector<16xi32>, vector<16xi32>], vector<16xf32>,
    %get3A_474 = arith.constant 464 : index
    %get3A_475 = tpu.vector_load %arg4[%get3A_474] {strides = array<i32>} : memref<512xi32, #tpu.memory_space<vmem>>, vector<16xi32>,
    %iota3A_476 = tpu.iota {dimensions = array<i32: 0>} : vector<16xi32>
    %add3A_477 = arith.constant 16 : i32
    %add3A_478 = vector.broadcast %add3A_477 : i32 to vector<16xi32>
    %add3A_479 = arith.addi %iota3A_476, %add3A_478 : vector<16xi32>
    tpu.vector_store_idx %arg5[%add3A_479, %get3A_475], %broadcast_in_dim3A_5 : memref<32x1000xf32, #tpu.memory_space<vmem>>[vector<16xi32>, vector<16xi32>], vector<16xf32>,
    %add3A_480 = arith.constant 448 : i32
    %add3A_481 = arith.addi %mul3A_2, %add3A_480 : i32
    %dma_start3A_482 = arith.constant 0 : i32
    %dma_start3A_483 = tpu.memref_slice %arg3[%add3A_481, %dma_start3A_482] : memref<16384x1000xf32, #tpu.memory_space<hbm>> -> memref<32x1000xf32, #tpu.memory_space<hbm>>
    %dma_start3A_484 = arith.constant 0 : i32
    %dma_start3A_485 = tpu.memref_slice %arg3[%add3A_481, %dma_start3A_484] : memref<16384x1000xf32, #tpu.memory_space<hbm>> -> memref<32x1000xf32, #tpu.memory_space<hbm>>
    tpu.enqueue_dma source(%arg5 : memref<32x1000xf32, #tpu.memory_space<vmem>>) target(%dma_start3A_485 : memref<32x1000xf32, #tpu.memory_space<hbm>>) target_semaphore(%arg7 : memref<!tpu.dma_semaphore, #tpu.memory_space<semaphore_mem>>)
    %dma_wait3A_486 = arith.constant 0 : i32
    %dma_wait3A_487 = tpu.memref_slice %arg3[%add3A_447, %dma_wait3A_486] : memref<16384x1000xf32, #tpu.memory_space<hbm>> -> memref<32x1000xf32, #tpu.memory_space<hbm>>
    %dma_wait3A_488 = arith.constant 0 : i32
    %dma_wait3A_489 = tpu.memref_slice %arg3[%add3A_447, %dma_wait3A_488] : memref<16384x1000xf32, #tpu.memory_space<hbm>> -> memref<32x1000xf32, #tpu.memory_space<hbm>>
    tpu.wait_dma2 semaphore(%arg8 : memref<!tpu.dma_semaphore, #tpu.memory_space<semaphore_mem>>) src(%arg6 : memref<32x1000xf32, #tpu.memory_space<vmem>>) dst(%dma_wait3A_489 : memref<32x1000xf32, #tpu.memory_space<hbm>>)
    %get3A_490 = arith.constant 416 : index
    %get3A_491 = tpu.vector_load %arg4[%get3A_490] {strides = array<i32>} : memref<512xi32, #tpu.memory_space<vmem>>, vector<16xi32>,
    %iota3A_492 = tpu.iota {dimensions = array<i32: 0>} : vector<16xi32>
    %add3A_493 = arith.constant 0 : i32
    %add3A_494 = vector.broadcast %add3A_493 : i32 to vector<16xi32>
    %add3A_495 = arith.addi %iota3A_492, %add3A_494 : vector<16xi32>
    tpu.vector_store_idx %arg6[%add3A_495, %get3A_491], %broadcast_in_dim3A_3 : memref<32x1000xf32, #tpu.memory_space<vmem>>[vector<16xi32>, vector<16xi32>], vector<16xf32>,
    %get3A_496 = arith.constant 432 : index
    %get3A_497 = tpu.vector_load %arg4[%get3A_496] {strides = array<i32>} : memref<512xi32, #tpu.memory_space<vmem>>, vector<16xi32>,
    %iota3A_498 = tpu.iota {dimensions = array<i32: 0>} : vector<16xi32>
    %add3A_499 = arith.constant 16 : i32
    %add3A_500 = vector.broadcast %add3A_499 : i32 to vector<16xi32>
    %add3A_501 = arith.addi %iota3A_498, %add3A_500 : vector<16xi32>
    tpu.vector_store_idx %arg6[%add3A_501, %get3A_497], %broadcast_in_dim3A_3 : memref<32x1000xf32, #tpu.memory_space<vmem>>[vector<16xi32>, vector<16xi32>], vector<16xf32>,
    %get3A_502 = arith.constant 480 : index
    %get3A_503 = tpu.vector_load %arg4[%get3A_502] {strides = array<i32>} : memref<512xi32, #tpu.memory_space<vmem>>, vector<16xi32>,
    %iota3A_504 = tpu.iota {dimensions = array<i32: 0>} : vector<16xi32>
    %add3A_505 = arith.constant 0 : i32
    %add3A_506 = vector.broadcast %add3A_505 : i32 to vector<16xi32>
    %add3A_507 = arith.addi %iota3A_504, %add3A_506 : vector<16xi32>
    tpu.vector_store_idx %arg6[%add3A_507, %get3A_503], %broadcast_in_dim3A_5 : memref<32x1000xf32, #tpu.memory_space<vmem>>[vector<16xi32>, vector<16xi32>], vector<16xf32>,
    %get3A_508 = arith.constant 496 : index
    %get3A_509 = tpu.vector_load %arg4[%get3A_508] {strides = array<i32>} : memref<512xi32, #tpu.memory_space<vmem>>, vector<16xi32>,
    %iota3A_510 = tpu.iota {dimensions = array<i32: 0>} : vector<16xi32>
    %add3A_511 = arith.constant 16 : i32
    %add3A_512 = vector.broadcast %add3A_511 : i32 to vector<16xi32>
    %add3A_513 = arith.addi %iota3A_510, %add3A_512 : vector<16xi32>
    tpu.vector_store_idx %arg6[%add3A_513, %get3A_509], %broadcast_in_dim3A_5 : memref<32x1000xf32, #tpu.memory_space<vmem>>[vector<16xi32>, vector<16xi32>], vector<16xf32>,
    %add3A_514 = arith.constant 480 : i32
    %add3A_515 = arith.addi %mul3A_2, %add3A_514 : i32
    %dma_start3A_516 = arith.constant 0 : i32
    %dma_start3A_517 = tpu.memref_slice %arg3[%add3A_515, %dma_start3A_516] : memref<16384x1000xf32, #tpu.memory_space<hbm>> -> memref<32x1000xf32, #tpu.memory_space<hbm>>
    %dma_start3A_518 = arith.constant 0 : i32
    %dma_start3A_519 = tpu.memref_slice %arg3[%add3A_515, %dma_start3A_518] : memref<16384x1000xf32, #tpu.memory_space<hbm>> -> memref<32x1000xf32, #tpu.memory_space<hbm>>
    tpu.enqueue_dma source(%arg6 : memref<32x1000xf32, #tpu.memory_space<vmem>>) target(%dma_start3A_519 : memref<32x1000xf32, #tpu.memory_space<hbm>>) target_semaphore(%arg8 : memref<!tpu.dma_semaphore, #tpu.memory_space<semaphore_mem>>)
    %dma_wait3A_520 = arith.constant 0 : i32
    %dma_wait3A_521 = tpu.memref_slice %arg3[%add3A_481, %dma_wait3A_520] : memref<16384x1000xf32, #tpu.memory_space<hbm>> -> memref<32x1000xf32, #tpu.memory_space<hbm>>
    %dma_wait3A_522 = arith.constant 0 : i32
    %dma_wait3A_523 = tpu.memref_slice %arg3[%add3A_481, %dma_wait3A_522] : memref<16384x1000xf32, #tpu.memory_space<hbm>> -> memref<32x1000xf32, #tpu.memory_space<hbm>>
    tpu.wait_dma2 semaphore(%arg7 : memref<!tpu.dma_semaphore, #tpu.memory_space<semaphore_mem>>) src(%arg5 : memref<32x1000xf32, #tpu.memory_space<vmem>>) dst(%dma_wait3A_523 : memref<32x1000xf32, #tpu.memory_space<hbm>>)
    %dma_wait3A_524 = arith.constant 0 : i32
    %dma_wait3A_525 = tpu.memref_slice %arg3[%add3A_515, %dma_wait3A_524] : memref<16384x1000xf32, #tpu.memory_space<hbm>> -> memref<32x1000xf32, #tpu.memory_space<hbm>>
    %dma_wait3A_526 = arith.constant 0 : i32
    %dma_wait3A_527 = tpu.memref_slice %arg3[%add3A_515, %dma_wait3A_526] : memref<16384x1000xf32, #tpu.memory_space<hbm>> -> memref<32x1000xf32, #tpu.memory_space<hbm>>
    tpu.wait_dma2 semaphore(%arg8 : memref<!tpu.dma_semaphore, #tpu.memory_space<semaphore_mem>>) src(%arg6 : memref<32x1000xf32, #tpu.memory_space<vmem>>) dst(%dma_wait3A_527 : memref<32x1000xf32, #tpu.memory_space<hbm>>)
    return
  }
}

</mosaic_0001>

<sc_bundles>
// kernel: kernel.3.cloned.1.call-start
scs
__scs_entry_jumppad:
0x0: {  	(pc) =	sbr.rel $0x88, $3  }
0x1: {  	(tag) =	ssettag $0x0;
	lr =	simm.s32 $0x1  }
0x2: {  	[smem:$0x3FA0] =	sst lr;
	_ =	strace $0xD0000000  }
0x3: {  	_ = 	snop  }
0x4: {  	_ = 	snop  }
0x5: {  	_ = 	snop  }
0x6: {  	_ = 	snop  }
0x7: {  	_ = 	snop  }
__scs_overlays_trampoline_lowered:
0x8: {  	[smem:$0x3FAF] =	sst s0  }
0x9: {  	[smem:$0x3FB0] =	sst s1  }
0xa: {  	[smem:$0x3FB1] =	sst s2  }
0xb: {  	[smem:$0x3FB2] =	sst s3  }
0xc: {  	[smem:$0x3FB3] =	sst s4  }
0xd: {  	[smem:$0x3FB4] =	sst s5  }
0xe: {  	[smem:$0x3FB5] =	sst s6  }
0xf: {  	[smem:$0x3FB6] =	sst s7  }
0x10: {  	[smem:$0x3FB7] =	sst s8  }
0x11: {  	[smem:$0x3FB8] =	sst s9;
	s0 =	simm.s32 @!p0 $0x0  }
0x12: {  	s1 =	sld [smem:$0x3F9E];
	s0 =	simm.s32 @p0 $0x1  }
0x13: {  	[smem:$0x3FB9] =	sst s0;
	s0 =	simm.s32 @!p1 $0x0  }
0x14: {  	s2 =	sld [smem:$0x3F9D];
	s0 =	simm.s32 @p1 $0x1  }
0x15: {  	[smem:$0x3FBA] =	sst s0;
	s0 =	simm.s32 @!p2 $0x0  }
0x16: {  	s3 =	sld [smem:$0x3FDB];
	s0 =	simm.s32 @p2 $0x1  }
0x17: {  	s4 =	simm.s32 $0x1BF5;
	[smem:$0x3FBC] =	sst s0  }
0x18: {  	s0 =	sld [smem:$0x3F9F];
	_ =	swait.ge [sflag:s4], $0x0  }
0x19: {  	s7 =	sld [smem:$0x3FA0]  }
0x1a: {  	s8 =	sadd.s32 $0xFFFFE003, lr  }
0x1b: {  	s9 =	sadd.s32 $0xFFFFFEF7, lr;
	s5 =	simm.s32 $0xFFFFFFFF;
	p2 =	slt.u32 s8, $0xFFFFF086  }
0x1c: {  	p1 =	slt.u32 s9, $0xF7A;
	s5 =	simm.s32 @!p2 $0x0  }
0x1d: {  	s5 =	simm.s32 @p1 $0x1;
	p0 =	seq.s32 s7, s2  }
0x1e: {  	s7 =	smul.u32 @!p0 $0xF7A, s2;
	p2 =	seq.s32 @!p0 s5, $0x0  }
0x1f: {  	s9 =	smul.u32 $0xF7A, s1;
	s8 =	simm.s32 @!p0 $0x1BF5;
	p2 =	por !p2, p0  }
0x20: {  	[sflag:s8] =	ssyncset.s32 @!p0 $0xFFFFF086;
	s6 =	sadd.s32 @!p0 s3, s7;
	s7 =	simm.s32 @!p0 $0x108  }
0x21: {  	s3 =	sadd.s32 s3, s9;
	s6 =	sadd.s32 @!p0 $0x88, s6;
	s7 =	simm.s32 @p2 $0x1082  }
0x22: {  	[simem:s7], [sflag:s8] =	dma.local @!p0 [hbm:s6], $0xF7A  }
0x23: {  	s9 =	sor.u32 $0xD0000000, s2;
	s6 =	simm.s32 $0x108;
	_ =	swait.ge @!p0 [sflag:s8], $0x0  }
0x24: {  	s3 =	sadd.s32 $0x88, s3;
	s6 =	simm.s32 @!p1 $0x1082;
	[sflag:s4] =	ssyncset.s32 $0xFFFFF086  }
0x25: {  	[simem:s6], [sflag:s4] =	dma.local [hbm:s3], $0xF7A  }
0x26: {  	[smem:$0x3FA0] =	sst s1;
	(tag) =	ssettag s2;
	_ =	strace s9  }
0x27: {  	s1 =	sld [smem:$0x3FB0]  }
0x28: {  	s2 =	sld [smem:$0x3FB1]  }
0x29: {  	s4 =	sld [smem:$0x3FB3]  }
0x2a: {  	p0 =	seq.s32 s5, $0x0;
	s5 =	sld [smem:$0x3FB4]  }
0x2b: {  	s6 =	sld [smem:$0x3FB5]  }
0x2c: {  	s7 =	sld [smem:$0x3FB6]  }
0x2d: {  	s3 =	simm.s32 $0x108;
	s8 =	sld [smem:$0x3FB7]  }
0x2e: {  	s3 =	simm.s32 @!p0 $0x1082;
	s9 =	sld [smem:$0x3FB8]  }
0x2f: {  	lr =	sadd.s32 s0, s3;
	s0 =	sld [smem:$0x3FAF]  }
0x30: {  	s3 =	sld [smem:$0x3FB2]  }
0x31: {  	[smem:$0x3FBB] =	sst s10  }
0x32: {  	s10 =	sld [smem:$0x3FB9];
	_ =	sdelay $0x3  }
0x33: {  	p0 =	seq.s32 s10, $0x1;
	s10 =	sld [smem:$0x3FBB];
	_ =	sdelay $0x3  }
0x34: {  	[smem:$0x3FBB] =	sst s10  }
0x35: {  	s10 =	sld [smem:$0x3FBA];
	_ =	sdelay $0x3  }
0x36: {  	p1 =	seq.s32 s10, $0x1;
	s10 =	sld [smem:$0x3FBB];
	_ =	sdelay $0x3  }
0x37: {  	[smem:$0x3FBB] =	sst s10  }
0x38: {  	s10 =	sld [smem:$0x3FBC]  }
0x39: {  	_ = 	snop;
	(pc) =	sbr.ind lr, $3  }
0x3a: {  	_ = 	snop  }
0x3b: {  	_ = 	snop  }
0x3c: {  	p2 =	seq.s32 s10, $0x1;
	s10 =	sld [smem:$0x3FBB]  }
0x3d: {  	_ =	shalt  }
0x3e: {  	_ =	shalt  }
0x3f: {  	_ =	shalt  }
0x40: {  	_ =	shalt  }
0x41: {  	_ =	shalt  }
0x42: {  	_ =	shalt  }
0x43: {  	_ =	shalt  }
0x44: {  	_ =	shalt  }
0x45: {  	_ =	shalt  }
0x46: {  	_ =	shalt  }
0x47: {  	_ =	shalt  }
0x48: {  	_ =	shalt  }
0x49: {  	_ =	shalt  }
0x4a: {  	_ =	shalt  }
0x4b: {  	_ =	shalt  }
0x4c: {  	_ =	shalt  }
0x4d: {  	_ =	shalt  }
0x4e: {  	_ =	shalt  }
0x4f: {  	_ =	shalt  }
0x50: {  	_ =	shalt  }
0x51: {  	_ =	shalt  }
0x52: {  	_ =	shalt  }
0x53: {  	_ =	shalt  }
0x54: {  	_ =	shalt  }
0x55: {  	_ =	shalt  }
0x56: {  	_ =	shalt  }
0x57: {  	_ =	shalt  }
0x58: {  	_ =	shalt  }
0x59: {  	_ =	shalt  }
0x5a: {  	_ =	shalt  }
0x5b: {  	_ =	shalt  }
0x5c: {  	_ =	shalt  }
0x5d: {  	_ =	shalt  }
0x5e: {  	_ =	shalt  }
0x5f: {  	_ =	shalt  }
0x60: {  	_ =	shalt  }
0x61: {  	_ =	shalt  }
0x62: {  	_ =	shalt  }
0x63: {  	_ =	shalt  }
0x64: {  	_ =	shalt  }
0x65: {  	_ =	shalt  }
0x66: {  	_ =	shalt  }
0x67: {  	_ =	shalt  }
0x68: {  	_ =	shalt  }
0x69: {  	_ =	shalt  }
0x6a: {  	_ =	shalt  }
0x6b: {  	_ =	shalt  }
0x6c: {  	_ =	shalt  }
0x6d: {  	_ =	shalt  }
0x6e: {  	_ =	shalt  }
0x6f: {  	_ =	shalt  }
0x70: {  	_ =	shalt  }
0x71: {  	_ =	shalt  }
0x72: {  	_ =	shalt  }
0x73: {  	_ =	shalt  }
0x74: {  	_ =	shalt  }
0x75: {  	_ =	shalt  }
0x76: {  	_ =	shalt  }
0x77: {  	_ =	shalt  }
0x78: {  	_ =	shalt  }
0x79: {  	_ =	shalt  }
0x7a: {  	_ =	shalt  }
0x7b: {  	_ =	shalt  }
0x7c: {  	_ =	shalt  }
0x7d: {  	_ =	shalt  }
0x7e: {  	_ =	shalt  }
0x7f: {  	_ =	shalt  }
0x80: {  	_ =	shalt  }
0x81: {  	_ =	shalt  }
0x82: {  	_ =	shalt  }
0x83: {  	_ =	shalt  }
0x84: {  	_ =	shalt  }
0x85: {  	_ =	shalt  }
0x86: {  	_ =	shalt  }
0x87: {  	_ =	shalt  }
.Lfunc_end0:
.L_simem_size_0:
called_computation_lowered:
.L_overlay_start_0:
0x88: {  	s2 =	sld [smem:$0x3FD9]  }
0x89: {  	s3 =	sld [smem:$0x3FFE];
	_ =	sdelay $0x1  }
0x8a: {  	s1 =	srdreg.scid  }
0x8b: {  	s0 =	sand.u32 $0x1, s1  }
0x8c: {  	s17 =	sshll.u32 s0, $0xA;
	s2 =	sadd.s32 s3, s2  }
0x8d: {  	s2 =	sadd.s32 s2, s17  }
0x8e: {  	[smem:$0x3FC7] =	sst s2  }
0x8f: {  	_ = 	snop  }
0x90: {  	s2 =	sld [smem:$0x3FC9];
	(tm) =	ssettm $0x1  }
0x91: {  	s18 =	sld [smem:$0x3FFB];
	_ =	sdelay $0x3  }
0x92: {  	_ =	strace s18  }
0x93: {  	s3 =	sld [smem:$0x3FFC];
	_ =	sdelay $0x3  }
0x94: {  	_ =	strace s3  }
0x95: {  	s3 =	sld [smem:$0x3FFD];
	_ =	sdelay $0x3  }
0x96: {  	_ =	strace s3  }
0x97: {  	_ =	strace $0x8FFFFFFF  }
0x98: {  	s19 =	sld [smem:$0x3FDB];
	_ =	sdelay $0x1  }
0x99: {  	s4 =	simm.s32 $_scs_section_size  }
0x9a: {  	s5 =	simm.s32 $_size__tile_overlayer_lowered;
	s6 =	simm.s32 $_tile_overlayer_lowered  }
0x9b: {  	s22 =	simm.s32 $0x1BFF;
	s21 =	sshll.u32 s6, $0x1;
	s3 =	sadd.s32 s4, s19  }
0x9c: {  	s7 =	simm.s32 $0x0;
	s20 =	sshll.u32 s5, $0x1;
	s5 =	sadd.s32 s21, s3  }
0x9d: {  	[timem:s7], [sflag:s22] =	dma.local [hbm:s5], s20  }
0x9e: {  	_ =	swait.ge [sflag:s22], s20  }
0x9f: {  	s4 =	ssub.s32 $0x0, s20;
	[sflag:s22] =	ssyncset.done $0x0  }
0xa0: {  	[sflag:s22] =	ssyncadd.s32 s4;
	_ =	sdelay $0x1  }
0xa1: {  	s23 =	simm.s32 $0x1B8B  }
0xa2: {  	_ =	swait.ge [sflag:s23], $0x1  }
0xa3: {  	[sflag:s23] =	ssyncset.done $0x0  }
0xa4: {  	s25 =	simm.s32 $0x1B8E;
	s24 =	sld [smem:$0x3FFE];
	[sflag:s23] =	ssyncadd.s32 $0xFFFFFFFF  }
0xa5: {  	s26 =	simm.s32 $execute0_lowered;
	[smem:$0x3FD2] =	sst s25  }
0xa6: {  	s5 =	sshll.u32 s26, $0x1;
	_ =	strace $0x80000046;
	[dreg:$0x1] =	wrdreg $0xFFFFFFFF  }
0xa7: {  	s28 =	simm.s32 $_size_execute0_lowered;
	s3 =	sadd.s32 s3, s5;
	[dreg:$0x0] =	wrdreg $0x0  }
0xa8: {  	s5 =	sshll.u32 s28, $0x1;
	[dreg:$0x2] =	wrdreg s3  }
0xa9: {  	[dreg:$0x3] =	wrdreg s5  }
0xaa: {  	[dreg:$0x4] =	wrdreg $0xC0  }
0xab: {  	_ =	task [dreg:s7], $0x5FFFF  }
0xac: {  	[dreg:$0x1] =	wrdreg $0xFFFFFFFF  }
0xad: {  	[dreg:$0x0] =	wrdreg $0x60  }
0xae: {  	[dreg:$0x2] =	wrdreg s2  }
0xaf: {  	[dreg:$0x3] =	wrdreg s24  }
0xb0: {  	[dreg:$0x4] =	wrdreg $0x9  }
0xb1: {  	_ =	task.clear_ibuf [dreg:s7], $0x5FFFF;
	_ =	strace $0x90000046  }
0xb2: {  	s29 =	simm.s32 $0x9;
	_ =	strace $0x80000048  }
0xb3: {  	_ =	swait.ge [sflag:s29], $0x1  }
0xb4: {  	[sflag:s29] =	ssyncadd.s32 $0xFFFFFFFF  }
0xb5: {  	_ =	strace $0x90000048  }
0xb6: {  	_ =	sfence  }
0xb7: {  	s30 =	sld [smem:$0x0];
	_ =	sdelay $0x2  }
0xb8: {  	s31 =	sshll.u32 s1, $0xD;
	s1 =	sshrl.u32 s1, $0x2  }
0xb9: {  	s3 =	sand.u32 $0x4000, s31;
	s1 =	sadd.s32 s1, s30  }
0xba: {  	s0 =	sor.u32 s3, s0;
	s1 =	sshll.u32 s1, $0x11  }
0xbb: {  	s0 =	sor.u32 s1, s0  }
0xbc: {  	s0 =	sadd.s32 $0x8F2B, s0  }
0xbd: {  	[sflag:s0] =	ssyncadd.remote.s32 $0x1  }
0xbe: {  	_ =	sfence.sel $0xFFFF  }
0xbf: {  	[dreg:$0x0] =	wrdreg $0xFFFFFFFF;
	(pc) =	sbr.abs _section_cstart, $3  }
0xc0: {  	[dreg:$0x1] =	wrdreg $0xFFFFFFFF  }
0xc1: {  	_ =	task.clear_ibuf [dreg:s7], $0x2FFFF;
	_ =	strace $0x9FFFFFFF  }
0xc2: {  	(tm) =	ssettm $0x7FFFFFFF  }
0xc3: {  	_ =	shalt  }
tec
execute0_lowered:
.L_overlay_start_1:
0x0: {  	(tag) =	ssettag $0x1  }
0x1: {  	v0 =	vimm.f32 $9.999999740e-05;
	s0 =	rddreg [dreg:$0x0]  }
0x2: {  	v1 =	vimm.s32 $0x2380;
	vm0 =	vcmask $0x300;
	v2 =	vimm.s32 $0x6380;
	s1 =	rddreg [dreg:$0x1]  }
0x3: {  	vm1 =	vcmask $0x704;
	s2 =	srdreg.scid;
	s4 =	stileid.u32;
	s21 =	simm.s32 $0x3;
	v1 =	vsel vm0, $0x0, v1;
	v2 =	vsel vm0, $0x4000, v2  }
0x4: {  	vm15 =	vcmask $0xB08;
	s22 =	simm.s32 $0x200;
	s23 =	simm.s32 $0x8200;
	s24 =	simm.s32 $0x1;
	v1 =	vsel vm1, $0x80, v1;
	v2 =	vsel vm1, $0x4080, v2  }
0x5: {  	vm4 =	vcmask $0xF0C;
	s25 =	simm.s32 $0x2;
	s3 =	sand.u32 $0x1, s2;
	s2 =	simm.s32 $0x0;
	v1 =	vsel vm15, $0x100, v1;
	v2 =	vsel vm15, $0x4100, v2  }
0x6: {  	vm5 =	vcmask $0x1310;
	s4 =	sshll.u32 s4, $0xA;
	s5 =	sshll.u32 s3, $0x9;
	[smem:$0x7FF] =	sst s2;
	v1 =	vsel vm4, $0x180, v1;
	v2 =	vsel vm4, $0x4180, v2  }
0x7: {  	vm6 =	vcmask $0x1714;
	s3 =	ssub.s32 $0x2, s3;
	s4 =	sor.u32 s5, s4;
	_ =	strace $0x80000047;
	v1 =	vsel vm5, $0x200, v1;
	v2 =	vsel vm5, $0x4200, v2  }
0x8: {  	vm7 =	vcmask $0x1B18;
	s6 =	sshrl.u32 s3, $0x1;
	s5 =	sshll.u32 s4, $0x7;
	s4 =	sshrl.u32 s4, $0x3;
	v1 =	vsel vm6, $0x280, v1;
	v2 =	vsel vm6, $0x4280, v2  }
0x9: {  	vm8 =	vcmask $0x1F1C;
	s3 =	ssub.s32 s3, s6;
	s1 =	sadd.s32 s5, s1;
	s0 =	sadd.s32 s0, s4;
	v1 =	vsel vm7, $0x300, v1;
	v2 =	vsel vm7, $0x4300, v2  }
0xa: {  	vm9 =	vcmask $0x2320;
	s20 =	smax.u32 s3, $0x1;
	[dreg:$0x3] =	wrdreg s0;
	s26 =	sadd.s32 $0x400, s1;
	v1 =	vsel vm8, $0x380, v1;
	v2 =	vsel vm8, $0x4380, v2  }
0xb: {  	vm10 =	vcmask $0x2724;
	s28 =	sadd.s32 $0x1400, s1;
	s29 =	sadd.s32 $0x2400, s1;
	s30 =	sadd.s32 $0x3400, s1;
	v1 =	vsel vm9, $0x2000, v1;
	v2 =	vsel vm9, $0x6000, v2  }
0xc: {  	vm11 =	vcmask $0x2B28;
	s31 =	sadd.s32 $0x4400, s1;
	s9 =	sadd.s32 $0x5400, s1;
	s10 =	sadd.s32 $0x6400, s1;
	v1 =	vsel vm10, $0x2080, v1;
	v2 =	vsel vm10, $0x6080, v2  }
0xd: {  	vm12 =	vcmask $0x2F2C;
	s11 =	sadd.s32 $0x7400, s1;
	s12 =	sadd.s32 $0x8400, s1;
	[dreg:$0x4] =	wrdreg s26;
	v1 =	vsel vm11, $0x2100, v1;
	v2 =	vsel vm11, $0x6100, v2  }
0xe: {  	vm13 =	vcmask $0x3330;
	s13 =	sadd.s32 $0x9400, s1;
	s14 =	sadd.s32 $0xA400, s1;
	[dreg:$0x5] =	wrdreg s28;
	v1 =	vsel vm12, $0x2180, v1;
	v2 =	vsel vm12, $0x6180, v2  }
0xf: {  	vm14 =	vcmask $0x3734;
	s15 =	sadd.s32 $0xB400, s1;
	s16 =	sadd.s32 $0xC400, s1;
	[dreg:$0x6] =	wrdreg s29;
	v1 =	vsel vm13, $0x2200, v1;
	v2 =	vsel vm13, $0x6200, v2  }
0x10: {  	vm15 =	vcmask $0x3B38;
	s17 =	sadd.s32 $0xD400, s1;
	s18 =	sadd.s32 $0xE400, s1;
	[dreg:$0x7] =	wrdreg s30;
	v1 =	vsel vm14, $0x2280, v1;
	v3 =	vsel vm14, $0x6280, v2  }
0x11: {  	s19 =	sadd.s32 $0xF400, s1;
	[dreg:$0x8] =	wrdreg s31;
	s26 =	simm.s32 $0x0;
	v2 =	vimm.f32 $9.000999930e-01;
	v1 =	vsel vm15, $0x2300, v1;
	v3 =	vsel vm15, $0x6300, v3  }
.LBB2_1:
0x12: {  	s0 =	rddreg [dreg:$0x3]  }
0x13: {  	[tilespmem:s2], [sflag:$0x3] =	stream.linear.gather [hbm4b:s0+s2], $0x200, $0x38;
	[tilespmem:$0x10200] =	vst v63  }
0x14: {  	_ =	swait.ge [sflag:s21], $0x200  }
0x15: {  	s28 =	simm.s32 $0xFFFF8000;
	s29 =	simm.s32 $0x0;
	[sflag:s21] =	ssyncset.done $0x0  }
0x16: {  	s30 =	simm.s32 $0x0;
	s31 =	simm.s32 $0x0;
	[sflag:s21] =	ssyncadd.s32 $0xFFFFFE00  }
.LBB2_2:
0x17: {  	s0 =	sadd.s32 $0x8000, s28  }
0x18: {  	s1 =	sand.u32 $0x380, s31;
	s0 =	sand.u32 $0x6000, s0  }
0x19: {  	s0 =	sor.u32 s1, s0  }
0x1a: {  	[tilespmem:s0+$0x200] =	vst v0  }
0x1b: {  	[tilespmem:s0+$0x210] =	vst v0  }
0x1c: {  	[tilespmem:s0+$0x220] =	vst v0  }
0x1d: {  	[tilespmem:s0+$0x230] =	vst v0  }
0x1e: {  	[tilespmem:s0+$0x240] =	vst v0  }
0x1f: {  	[tilespmem:s0+$0x250] =	vst v0  }
0x20: {  	[tilespmem:s0+$0x260] =	vst v0  }
0x21: {  	[tilespmem:s0+$0x270] =	vst v0  }
0x22: {  	[tilespmem:s0+$0x600] =	vst v0  }
0x23: {  	[tilespmem:s0+$0x610] =	vst v0  }
0x24: {  	[tilespmem:s0+$0x620] =	vst v0  }
0x25: {  	[tilespmem:s0+$0x630] =	vst v0  }
0x26: {  	[tilespmem:s0+$0x640] =	vst v0  }
0x27: {  	[tilespmem:s0+$0x650] =	vst v0  }
0x28: {  	[tilespmem:s0+$0x660] =	vst v0  }
0x29: {  	[tilespmem:s0+$0x670] =	vst v0  }
0x2a: {  	[tilespmem:s0+$0xA00] =	vst v0  }
0x2b: {  	[tilespmem:s0+$0xA10] =	vst v0  }
0x2c: {  	[tilespmem:s0+$0xA20] =	vst v0  }
0x2d: {  	[tilespmem:s0+$0xA30] =	vst v0  }
0x2e: {  	[tilespmem:s0+$0xA40] =	vst v0  }
0x2f: {  	[tilespmem:s0+$0xA50] =	vst v0  }
0x30: {  	[tilespmem:s0+$0xA60] =	vst v0  }
0x31: {  	[tilespmem:s0+$0xA70] =	vst v0  }
0x32: {  	[tilespmem:s0+$0xE00] =	vst v0  }
0x33: {  	[tilespmem:s0+$0xE10] =	vst v0  }
0x34: {  	[tilespmem:s0+$0xE20] =	vst v0  }
0x35: {  	[tilespmem:s0+$0xE30] =	vst v0  }
0x36: {  	[tilespmem:s0+$0xE40] =	vst v0  }
0x37: {  	[tilespmem:s0+$0xE50] =	vst v0  }
0x38: {  	[tilespmem:s0+$0xE60] =	vst v0  }
0x39: {  	[tilespmem:s0+$0xE70] =	vst v0  }
0x3a: {  	[tilespmem:s0+$0x1200] =	vst v0  }
0x3b: {  	[tilespmem:s0+$0x1210] =	vst v0  }
0x3c: {  	[tilespmem:s0+$0x1220] =	vst v0  }
0x3d: {  	[tilespmem:s0+$0x1230] =	vst v0  }
0x3e: {  	[tilespmem:s0+$0x1240] =	vst v0  }
0x3f: {  	[tilespmem:s0+$0x1250] =	vst v0  }
0x40: {  	[tilespmem:s0+$0x1260] =	vst v0  }
0x41: {  	[tilespmem:s0+$0x1270] =	vst v0  }
0x42: {  	[tilespmem:s0+$0x1600] =	vst v0  }
0x43: {  	[tilespmem:s0+$0x1610] =	vst v0  }
0x44: {  	[tilespmem:s0+$0x1620] =	vst v0  }
0x45: {  	[tilespmem:s0+$0x1630] =	vst v0  }
0x46: {  	[tilespmem:s0+$0x1640] =	vst v0  }
0x47: {  	[tilespmem:s0+$0x1650] =	vst v0  }
0x48: {  	[tilespmem:s0+$0x1660] =	vst v0  }
0x49: {  	[tilespmem:s0+$0x1670] =	vst v0  }
0x4a: {  	[tilespmem:s0+$0x1A00] =	vst v0  }
0x4b: {  	[tilespmem:s0+$0x1A10] =	vst v0  }
0x4c: {  	[tilespmem:s0+$0x1A20] =	vst v0  }
0x4d: {  	[tilespmem:s0+$0x1A30] =	vst v0  }
0x4e: {  	s8 =	sand.u32 $0x7, s29;
	[tilespmem:s0+$0x1A40] =	vst v0  }
0x4f: {  	s1 =	sshll.u32 s8, $0x7;
	[tilespmem:s0+$0x1A50] =	vst v0  }
0x50: {  	s7 =	sadd.s32 s1, s30;
	[tilespmem:s0+$0x1A60] =	vst v0  }
0x51: {  	[tilespmem:s0+$0x1A70] =	vst v0;
	s1 =	sor.u32 $0x1C00, s7  }
0x52: {  	s3 =	sor.u32 $0x1C10, s7;
	[tilespmem:s1+$0x200] =	vst v0  }
0x53: {  	s4 =	sor.u32 $0x1C20, s7;
	[tilespmem:s3+$0x200] =	vst v0  }
0x54: {  	s5 =	sor.u32 $0x1C30, s7;
	[tilespmem:s4+$0x200] =	vst v0  }
0x55: {  	s6 =	sor.u32 $0x1C40, s7;
	[tilespmem:s5+$0x200] =	vst v0  }
0x56: {  	s8 =	sor.u32 $0x1C50, s7;
	[tilespmem:s6+$0x200] =	vst v0  }
0x57: {  	s7 =	sor.u32 $0x1C58, s7;
	[tilespmem:s8+$0x200] =	vst v0  }
0x58: {  	[tilespmem:s7+$0x200] =	vst v0  }
0x59: {  	[tilespmem:s0+$0x8200] =	vst v0  }
0x5a: {  	[tilespmem:s0+$0x8210] =	vst v0  }
0x5b: {  	[tilespmem:s0+$0x8220] =	vst v0  }
0x5c: {  	[tilespmem:s0+$0x8230] =	vst v0  }
0x5d: {  	[tilespmem:s0+$0x8240] =	vst v0  }
0x5e: {  	[tilespmem:s0+$0x8250] =	vst v0  }
0x5f: {  	[tilespmem:s0+$0x8260] =	vst v0  }
0x60: {  	[tilespmem:s0+$0x8270] =	vst v0  }
0x61: {  	[tilespmem:s0+$0x8600] =	vst v0  }
0x62: {  	[tilespmem:s0+$0x8610] =	vst v0  }
0x63: {  	[tilespmem:s0+$0x8620] =	vst v0  }
0x64: {  	[tilespmem:s0+$0x8630] =	vst v0  }
0x65: {  	[tilespmem:s0+$0x8640] =	vst v0  }
0x66: {  	[tilespmem:s0+$0x8650] =	vst v0  }
0x67: {  	[tilespmem:s0+$0x8660] =	vst v0  }
0x68: {  	[tilespmem:s0+$0x8670] =	vst v0  }
0x69: {  	[tilespmem:s0+$0x8A00] =	vst v0  }
0x6a: {  	[tilespmem:s0+$0x8A10] =	vst v0  }
0x6b: {  	[tilespmem:s0+$0x8A20] =	vst v0  }
0x6c: {  	[tilespmem:s0+$0x8A30] =	vst v0  }
0x6d: {  	[tilespmem:s0+$0x8A40] =	vst v0  }
0x6e: {  	[tilespmem:s0+$0x8A50] =	vst v0  }
0x6f: {  	[tilespmem:s0+$0x8A60] =	vst v0  }
0x70: {  	[tilespmem:s0+$0x8A70] =	vst v0  }
0x71: {  	[tilespmem:s0+$0x8E00] =	vst v0  }
0x72: {  	[tilespmem:s0+$0x8E10] =	vst v0  }
0x73: {  	[tilespmem:s0+$0x8E20] =	vst v0  }
0x74: {  	[tilespmem:s0+$0x8E30] =	vst v0  }
0x75: {  	[tilespmem:s0+$0x8E40] =	vst v0  }
0x76: {  	[tilespmem:s0+$0x8E50] =	vst v0  }
0x77: {  	[tilespmem:s0+$0x8E60] =	vst v0  }
0x78: {  	[tilespmem:s0+$0x8E70] =	vst v0  }
0x79: {  	[tilespmem:s0+$0x9200] =	vst v0  }
0x7a: {  	[tilespmem:s0+$0x9210] =	vst v0  }
0x7b: {  	[tilespmem:s0+$0x9220] =	vst v0  }
0x7c: {  	[tilespmem:s0+$0x9230] =	vst v0  }
0x7d: {  	[tilespmem:s0+$0x9240] =	vst v0  }
0x7e: {  	[tilespmem:s0+$0x9250] =	vst v0  }
0x7f: {  	[tilespmem:s0+$0x9260] =	vst v0  }
0x80: {  	[tilespmem:s0+$0x9270] =	vst v0  }
0x81: {  	[tilespmem:s0+$0x9600] =	vst v0  }
0x82: {  	[tilespmem:s0+$0x9610] =	vst v0  }
0x83: {  	[tilespmem:s0+$0x9620] =	vst v0  }
0x84: {  	[tilespmem:s0+$0x9630] =	vst v0  }
0x85: {  	[tilespmem:s0+$0x9640] =	vst v0  }
0x86: {  	[tilespmem:s0+$0x9650] =	vst v0  }
0x87: {  	[tilespmem:s0+$0x9660] =	vst v0  }
0x88: {  	[tilespmem:s0+$0x9670] =	vst v0  }
0x89: {  	[tilespmem:s0+$0x9A00] =	vst v0  }
0x8a: {  	[tilespmem:s0+$0x9A10] =	vst v0  }
0x8b: {  	[tilespmem:s0+$0x9A20] =	vst v0  }
0x8c: {  	[tilespmem:s0+$0x9A30] =	vst v0  }
0x8d: {  	[tilespmem:s0+$0x9A40] =	vst v0  }
0x8e: {  	[tilespmem:s0+$0x9A50] =	vst v0  }
0x8f: {  	[tilespmem:s0+$0x9A60] =	vst v0  }
0x90: {  	[tilespmem:s0+$0x9A70] =	vst v0  }
0x91: {  	[tilespmem:s1+$0x8200] =	vst v0  }
0x92: {  	p0 =	sne.s32 s31, $0xF80;
	[tilespmem:s3+$0x8200] =	vst v0  }
.Ltmp0:
0x93: {  	[tilespmem:s4+$0x8200] =	vst v0;
	(pc) =	sbr.rel @p0 .LBB2_2-.Ltmp0, $4  }
0x94: {  	[tilespmem:s5+$0x8200] =	vst v0  }
0x95: {  	[tilespmem:s6+$0x8200] =	vst v0  }
0x96: {  	s29 =	sadd.s32 $0x1, s29;
	[tilespmem:s8+$0x8200] =	vst v0  }
0x97: {  	s28 =	sadd.s32 $0x400, s28;
	s31 =	sadd.s32 $0x80, s31;
	s30 =	sadd.s32 $0x400, s30;
	[tilespmem:s7+$0x8200] =	vst v0  }
0x98: {  	v4 =	vld [tilespmem:$0x0];
	_ =	sdelay $0x4  }
0x99: {  	v5 =	vshll.u32 v4, $0x3  }
0x9a: {  	v4 =	vand.u32 $0x7F, v4;
	v5 =	vand.u32 $0xFFFFFC00, v5  }
0x9b: {  	v4 =	vor.u32 v4, v5  }
0x9c: {  	v4 =	vadd.s32 v1, v4;
	_ =	sdelay $0x4  }
0x9d: {  	[tilespmem:v4+s22+$0x0] =	vst.idx.msk $0xffff, v2  }
0x9e: {  	v4 =	vld [tilespmem:$0x10];
	_ =	sdelay $0x4  }
0x9f: {  	v5 =	vshll.u32 v4, $0x3  }
0xa0: {  	v4 =	vand.u32 $0x7F, v4;
	v5 =	vand.u32 $0xFFFFFC00, v5  }
0xa1: {  	v4 =	vor.u32 v4, v5  }
0xa2: {  	v4 =	vadd.s32 v3, v4;
	_ =	sdelay $0x4  }
0xa3: {  	s0 =	rddreg [dreg:$0x4];
	[tilespmem:v4+s22+$0x0] =	vst.idx.msk $0xffff, v2  }
0xa4: {  	[hbm4b:s0+s2] =	stream.linear.scatter [tilespmem:s22], [sflag:$0x1], $0x8000, $0x38;
	[tilespmem:$0x10200] =	vst v63  }
0xa5: {  	v4 =	vld [tilespmem:$0x20];
	_ =	sdelay $0x4  }
0xa6: {  	v5 =	vshll.u32 v4, $0x3  }
0xa7: {  	v4 =	vand.u32 $0x7F, v4;
	v5 =	vand.u32 $0xFFFFFC00, v5  }
0xa8: {  	v4 =	vor.u32 v4, v5  }
0xa9: {  	v4 =	vadd.s32 v1, v4;
	_ =	sdelay $0x4  }
0xaa: {  	[tilespmem:v4+s23+$0x0] =	vst.idx.msk $0xffff, v2  }
0xab: {  	v4 =	vld [tilespmem:$0x30];
	_ =	sdelay $0x4  }
0xac: {  	v5 =	vshll.u32 v4, $0x3  }
0xad: {  	v4 =	vand.u32 $0x7F, v4;
	v5 =	vand.u32 $0xFFFFFC00, v5  }
0xae: {  	v4 =	vor.u32 v4, v5  }
0xaf: {  	v4 =	vadd.s32 v3, v4;
	_ =	sdelay $0x4  }
0xb0: {  	s28 =	rddreg [dreg:$0x5];
	[tilespmem:v4+s23+$0x0] =	vst.idx.msk $0xffff, v2  }
0xb1: {  	[hbm4b:s28+s2] =	stream.linear.scatter [tilespmem:s23], [sflag:$0x2], $0x8000, $0x38;
	[tilespmem:$0x10200] =	vst v63  }
0xb2: {  	_ =	swait.ge [sflag:s24], $0x8000  }
0xb3: {  	[sflag:s24] =	ssyncset.done $0x0  }
0xb4: {  	[sflag:s24] =	ssyncadd.s32 $0xFFFF8000  }
0xb5: {  	v4 =	vld [tilespmem:$0x0];
	_ =	sdelay $0x4  }
0xb6: {  	v5 =	vshll.u32 v4, $0x3  }
0xb7: {  	v4 =	vand.u32 $0x7F, v4;
	v5 =	vand.u32 $0xFFFFFC00, v5  }
0xb8: {  	v4 =	vor.u32 v4, v5  }
0xb9: {  	v4 =	vadd.s32 v1, v4;
	_ =	sdelay $0x4  }
0xba: {  	[tilespmem:v4+s22+$0x0] =	vst.idx.msk $0xffff, v0  }
0xbb: {  	v4 =	vld [tilespmem:$0x10];
	_ =	sdelay $0x4  }
0xbc: {  	v5 =	vshll.u32 v4, $0x3  }
0xbd: {  	v4 =	vand.u32 $0x7F, v4;
	v5 =	vand.u32 $0xFFFFFC00, v5  }
0xbe: {  	v4 =	vor.u32 v4, v5  }
0xbf: {  	v4 =	vadd.s32 v3, v4;
	_ =	sdelay $0x4  }
0xc0: {  	[tilespmem:v4+s22+$0x0] =	vst.idx.msk $0xffff, v0  }
0xc1: {  	v4 =	vld [tilespmem:$0x40];
	_ =	sdelay $0x4  }
0xc2: {  	v5 =	vshll.u32 v4, $0x3  }
0xc3: {  	v4 =	vand.u32 $0x7F, v4;
	v5 =	vand.u32 $0xFFFFFC00, v5  }
0xc4: {  	v4 =	vor.u32 v4, v5  }
0xc5: {  	v4 =	vadd.s32 v1, v4;
	_ =	sdelay $0x4  }
0xc6: {  	[tilespmem:v4+s22+$0x0] =	vst.idx.msk $0xffff, v2  }
0xc7: {  	v4 =	vld [tilespmem:$0x50];
	_ =	sdelay $0x4  }
0xc8: {  	v5 =	vshll.u32 v4, $0x3  }
0xc9: {  	v4 =	vand.u32 $0x7F, v4;
	v5 =	vand.u32 $0xFFFFFC00, v5  }
0xca: {  	v4 =	vor.u32 v4, v5  }
0xcb: {  	v4 =	vadd.s32 v3, v4;
	_ =	sdelay $0x4  }
0xcc: {  	s29 =	rddreg [dreg:$0x6];
	[tilespmem:v4+s22+$0x0] =	vst.idx.msk $0xffff, v2  }
0xcd: {  	[hbm4b:s29+s2] =	stream.linear.scatter [tilespmem:s22], [sflag:$0x1], $0x8000, $0x38;
	[tilespmem:$0x10200] =	vst v63  }
0xce: {  	_ =	swait.ge [sflag:s25], $0x8000  }
0xcf: {  	[sflag:s25] =	ssyncset.done $0x0  }
0xd0: {  	[sflag:s25] =	ssyncadd.s32 $0xFFFF8000  }
0xd1: {  	v4 =	vld [tilespmem:$0x20];
	_ =	sdelay $0x4  }
0xd2: {  	v5 =	vshll.u32 v4, $0x3  }
0xd3: {  	v4 =	vand.u32 $0x7F, v4;
	v5 =	vand.u32 $0xFFFFFC00, v5  }
0xd4: {  	v4 =	vor.u32 v4, v5  }
0xd5: {  	v4 =	vadd.s32 v1, v4;
	_ =	sdelay $0x4  }
0xd6: {  	[tilespmem:v4+s23+$0x0] =	vst.idx.msk $0xffff, v0  }
0xd7: {  	v4 =	vld [tilespmem:$0x30];
	_ =	sdelay $0x4  }
0xd8: {  	v5 =	vshll.u32 v4, $0x3  }
0xd9: {  	v4 =	vand.u32 $0x7F, v4;
	v5 =	vand.u32 $0xFFFFFC00, v5  }
0xda: {  	v4 =	vor.u32 v4, v5  }
0xdb: {  	v4 =	vadd.s32 v3, v4;
	_ =	sdelay $0x4  }
0xdc: {  	[tilespmem:v4+s23+$0x0] =	vst.idx.msk $0xffff, v0  }
0xdd: {  	v4 =	vld [tilespmem:$0x60];
	_ =	sdelay $0x4  }
0xde: {  	v5 =	vshll.u32 v4, $0x3  }
0xdf: {  	v4 =	vand.u32 $0x7F, v4;
	v5 =	vand.u32 $0xFFFFFC00, v5  }
0xe0: {  	v4 =	vor.u32 v4, v5  }
0xe1: {  	v4 =	vadd.s32 v1, v4;
	_ =	sdelay $0x4  }
0xe2: {  	[tilespmem:v4+s23+$0x0] =	vst.idx.msk $0xffff, v2  }
0xe3: {  	v4 =	vld [tilespmem:$0x70];
	_ =	sdelay $0x4  }
0xe4: {  	v5 =	vshll.u32 v4, $0x3  }
0xe5: {  	v4 =	vand.u32 $0x7F, v4;
	v5 =	vand.u32 $0xFFFFFC00, v5  }
0xe6: {  	v4 =	vor.u32 v4, v5  }
0xe7: {  	v4 =	vadd.s32 v3, v4;
	_ =	sdelay $0x4  }
0xe8: {  	s30 =	rddreg [dreg:$0x7];
	[tilespmem:v4+s23+$0x0] =	vst.idx.msk $0xffff, v2  }
0xe9: {  	[hbm4b:s30+s2] =	stream.linear.scatter [tilespmem:s23], [sflag:$0x2], $0x8000, $0x38;
	[tilespmem:$0x10200] =	vst v63  }
0xea: {  	_ =	swait.ge [sflag:s24], $0x8000  }
0xeb: {  	[sflag:s24] =	ssyncset.done $0x0  }
0xec: {  	[sflag:s24] =	ssyncadd.s32 $0xFFFF8000  }
0xed: {  	v4 =	vld [tilespmem:$0x40];
	_ =	sdelay $0x4  }
0xee: {  	v5 =	vshll.u32 v4, $0x3  }
0xef: {  	v4 =	vand.u32 $0x7F, v4;
	v5 =	vand.u32 $0xFFFFFC00, v5  }
0xf0: {  	v4 =	vor.u32 v4, v5  }
0xf1: {  	v4 =	vadd.s32 v1, v4;
	_ =	sdelay $0x4  }
0xf2: {  	[tilespmem:v4+s22+$0x0] =	vst.idx.msk $0xffff, v0  }
0xf3: {  	v4 =	vld [tilespmem:$0x50];
	_ =	sdelay $0x4  }
0xf4: {  	v5 =	vshll.u32 v4, $0x3  }
0xf5: {  	v4 =	vand.u32 $0x7F, v4;
	v5 =	vand.u32 $0xFFFFFC00, v5  }
0xf6: {  	v4 =	vor.u32 v4, v5  }
0xf7: {  	v4 =	vadd.s32 v3, v4;
	_ =	sdelay $0x4  }
0xf8: {  	[tilespmem:v4+s22+$0x0] =	vst.idx.msk $0xffff, v0  }
0xf9: {  	v4 =	vld [tilespmem:$0x80];
	_ =	sdelay $0x4  }
0xfa: {  	v5 =	vshll.u32 v4, $0x3  }
0xfb: {  	v4 =	vand.u32 $0x7F, v4;
	v5 =	vand.u32 $0xFFFFFC00, v5  }
0xfc: {  	v4 =	vor.u32 v4, v5  }
0xfd: {  	v4 =	vadd.s32 v1, v4;
	_ =	sdelay $0x4  }
0xfe: {  	[tilespmem:v4+s22+$0x0] =	vst.idx.msk $0xffff, v2  }
0xff: {  	v4 =	vld [tilespmem:$0x90];
	_ =	sdelay $0x4  }
0x100: {  	v5 =	vshll.u32 v4, $0x3  }
0x101: {  	v4 =	vand.u32 $0x7F, v4;
	v5 =	vand.u32 $0xFFFFFC00, v5  }
0x102: {  	v4 =	vor.u32 v4, v5  }
0x103: {  	v4 =	vadd.s32 v3, v4;
	_ =	sdelay $0x4  }
0x104: {  	s31 =	rddreg [dreg:$0x8];
	[tilespmem:v4+s22+$0x0] =	vst.idx.msk $0xffff, v2  }
0x105: {  	[hbm4b:s31+s2] =	stream.linear.scatter [tilespmem:s22], [sflag:$0x1], $0x8000, $0x38;
	[tilespmem:$0x10200] =	vst v63  }
0x106: {  	_ =	swait.ge [sflag:s25], $0x8000  }
0x107: {  	[sflag:s25] =	ssyncset.done $0x0  }
0x108: {  	[sflag:s25] =	ssyncadd.s32 $0xFFFF8000  }
0x109: {  	v4 =	vld [tilespmem:$0x60];
	_ =	sdelay $0x4  }
0x10a: {  	v5 =	vshll.u32 v4, $0x3  }
0x10b: {  	v4 =	vand.u32 $0x7F, v4;
	v5 =	vand.u32 $0xFFFFFC00, v5  }
0x10c: {  	v4 =	vor.u32 v4, v5  }
0x10d: {  	v4 =	vadd.s32 v1, v4;
	_ =	sdelay $0x4  }
0x10e: {  	[tilespmem:v4+s23+$0x0] =	vst.idx.msk $0xffff, v0  }
0x10f: {  	v4 =	vld [tilespmem:$0x70];
	_ =	sdelay $0x4  }
0x110: {  	v5 =	vshll.u32 v4, $0x3  }
0x111: {  	v4 =	vand.u32 $0x7F, v4;
	v5 =	vand.u32 $0xFFFFFC00, v5  }
0x112: {  	v4 =	vor.u32 v4, v5  }
0x113: {  	v4 =	vadd.s32 v3, v4;
	_ =	sdelay $0x4  }
0x114: {  	[tilespmem:v4+s23+$0x0] =	vst.idx.msk $0xffff, v0  }
0x115: {  	v4 =	vld [tilespmem:$0xA0];
	_ =	sdelay $0x4  }
0x116: {  	v5 =	vshll.u32 v4, $0x3  }
0x117: {  	v4 =	vand.u32 $0x7F, v4;
	v5 =	vand.u32 $0xFFFFFC00, v5  }
0x118: {  	v4 =	vor.u32 v4, v5  }
0x119: {  	v4 =	vadd.s32 v1, v4;
	_ =	sdelay $0x4  }
0x11a: {  	[tilespmem:v4+s23+$0x0] =	vst.idx.msk $0xffff, v2  }
0x11b: {  	v4 =	vld [tilespmem:$0xB0];
	_ =	sdelay $0x4  }
0x11c: {  	v5 =	vshll.u32 v4, $0x3  }
0x11d: {  	v4 =	vand.u32 $0x7F, v4;
	v5 =	vand.u32 $0xFFFFFC00, v5  }
0x11e: {  	v4 =	vor.u32 v4, v5  }
0x11f: {  	v4 =	vadd.s32 v3, v4;
	_ =	sdelay $0x4  }
0x120: {  	[tilespmem:v4+s23+$0x0] =	vst.idx.msk $0xffff, v2  }
0x121: {  	[hbm4b:s9+s2] =	stream.linear.scatter [tilespmem:s23], [sflag:$0x2], $0x8000, $0x38;
	[tilespmem:$0x10200] =	vst v63  }
0x122: {  	_ =	swait.ge [sflag:s24], $0x8000  }
0x123: {  	[sflag:s24] =	ssyncset.done $0x0  }
0x124: {  	[sflag:s24] =	ssyncadd.s32 $0xFFFF8000  }
0x125: {  	v4 =	vld [tilespmem:$0x80];
	_ =	sdelay $0x4  }
0x126: {  	v5 =	vshll.u32 v4, $0x3  }
0x127: {  	v4 =	vand.u32 $0x7F, v4;
	v5 =	vand.u32 $0xFFFFFC00, v5  }
0x128: {  	v4 =	vor.u32 v4, v5  }
0x129: {  	v4 =	vadd.s32 v1, v4;
	_ =	sdelay $0x4  }
0x12a: {  	[tilespmem:v4+s22+$0x0] =	vst.idx.msk $0xffff, v0  }
0x12b: {  	v4 =	vld [tilespmem:$0x90];
	_ =	sdelay $0x4  }
0x12c: {  	v5 =	vshll.u32 v4, $0x3  }
0x12d: {  	v4 =	vand.u32 $0x7F, v4;
	v5 =	vand.u32 $0xFFFFFC00, v5  }
0x12e: {  	v4 =	vor.u32 v4, v5  }
0x12f: {  	v4 =	vadd.s32 v3, v4;
	_ =	sdelay $0x4  }
0x130: {  	[tilespmem:v4+s22+$0x0] =	vst.idx.msk $0xffff, v0  }
0x131: {  	v4 =	vld [tilespmem:$0xC0];
	_ =	sdelay $0x4  }
0x132: {  	v5 =	vshll.u32 v4, $0x3  }
0x133: {  	v4 =	vand.u32 $0x7F, v4;
	v5 =	vand.u32 $0xFFFFFC00, v5  }
0x134: {  	v4 =	vor.u32 v4, v5  }
0x135: {  	v4 =	vadd.s32 v1, v4;
	_ =	sdelay $0x4  }
0x136: {  	[tilespmem:v4+s22+$0x0] =	vst.idx.msk $0xffff, v2  }
0x137: {  	v4 =	vld [tilespmem:$0xD0];
	_ =	sdelay $0x4  }
0x138: {  	v5 =	vshll.u32 v4, $0x3  }
0x139: {  	v4 =	vand.u32 $0x7F, v4;
	v5 =	vand.u32 $0xFFFFFC00, v5  }
0x13a: {  	v4 =	vor.u32 v4, v5  }
0x13b: {  	v4 =	vadd.s32 v3, v4;
	_ =	sdelay $0x4  }
0x13c: {  	[tilespmem:v4+s22+$0x0] =	vst.idx.msk $0xffff, v2  }
0x13d: {  	[hbm4b:s10+s2] =	stream.linear.scatter [tilespmem:s22], [sflag:$0x1], $0x8000, $0x38;
	[tilespmem:$0x10200] =	vst v63  }
0x13e: {  	_ =	swait.ge [sflag:s25], $0x8000  }
0x13f: {  	[sflag:s25] =	ssyncset.done $0x0  }
0x140: {  	[sflag:s25] =	ssyncadd.s32 $0xFFFF8000  }
0x141: {  	v4 =	vld [tilespmem:$0xA0];
	_ =	sdelay $0x4  }
0x142: {  	v5 =	vshll.u32 v4, $0x3  }
0x143: {  	v4 =	vand.u32 $0x7F, v4;
	v5 =	vand.u32 $0xFFFFFC00, v5  }
0x144: {  	v4 =	vor.u32 v4, v5  }
0x145: {  	v4 =	vadd.s32 v1, v4;
	_ =	sdelay $0x4  }
0x146: {  	[tilespmem:v4+s23+$0x0] =	vst.idx.msk $0xffff, v0  }
0x147: {  	v4 =	vld [tilespmem:$0xB0];
	_ =	sdelay $0x4  }
0x148: {  	v5 =	vshll.u32 v4, $0x3  }
0x149: {  	v4 =	vand.u32 $0x7F, v4;
	v5 =	vand.u32 $0xFFFFFC00, v5  }
0x14a: {  	v4 =	vor.u32 v4, v5  }
0x14b: {  	v4 =	vadd.s32 v3, v4;
	_ =	sdelay $0x4  }
0x14c: {  	[tilespmem:v4+s23+$0x0] =	vst.idx.msk $0xffff, v0  }
0x14d: {  	v4 =	vld [tilespmem:$0xE0];
	_ =	sdelay $0x4  }
0x14e: {  	v5 =	vshll.u32 v4, $0x3  }
0x14f: {  	v4 =	vand.u32 $0x7F, v4;
	v5 =	vand.u32 $0xFFFFFC00, v5  }
0x150: {  	v4 =	vor.u32 v4, v5  }
0x151: {  	v4 =	vadd.s32 v1, v4;
	_ =	sdelay $0x4  }
0x152: {  	[tilespmem:v4+s23+$0x0] =	vst.idx.msk $0xffff, v2  }
0x153: {  	v4 =	vld [tilespmem:$0xF0];
	_ =	sdelay $0x4  }
0x154: {  	v5 =	vshll.u32 v4, $0x3  }
0x155: {  	v4 =	vand.u32 $0x7F, v4;
	v5 =	vand.u32 $0xFFFFFC00, v5  }
0x156: {  	v4 =	vor.u32 v4, v5  }
0x157: {  	v4 =	vadd.s32 v3, v4;
	_ =	sdelay $0x4  }
0x158: {  	[tilespmem:v4+s23+$0x0] =	vst.idx.msk $0xffff, v2  }
0x159: {  	[hbm4b:s11+s2] =	stream.linear.scatter [tilespmem:s23], [sflag:$0x2], $0x8000, $0x38;
	[tilespmem:$0x10200] =	vst v63  }
0x15a: {  	_ =	swait.ge [sflag:s24], $0x8000  }
0x15b: {  	[sflag:s24] =	ssyncset.done $0x0  }
0x15c: {  	[sflag:s24] =	ssyncadd.s32 $0xFFFF8000  }
0x15d: {  	v4 =	vld [tilespmem:$0xC0];
	_ =	sdelay $0x4  }
0x15e: {  	v5 =	vshll.u32 v4, $0x3  }
0x15f: {  	v4 =	vand.u32 $0x7F, v4;
	v5 =	vand.u32 $0xFFFFFC00, v5  }
0x160: {  	v4 =	vor.u32 v4, v5  }
0x161: {  	v4 =	vadd.s32 v1, v4;
	_ =	sdelay $0x4  }
0x162: {  	[tilespmem:v4+s22+$0x0] =	vst.idx.msk $0xffff, v0  }
0x163: {  	v4 =	vld [tilespmem:$0xD0];
	_ =	sdelay $0x4  }
0x164: {  	v5 =	vshll.u32 v4, $0x3  }
0x165: {  	v4 =	vand.u32 $0x7F, v4;
	v5 =	vand.u32 $0xFFFFFC00, v5  }
0x166: {  	v4 =	vor.u32 v4, v5  }
0x167: {  	v4 =	vadd.s32 v3, v4;
	_ =	sdelay $0x4  }
0x168: {  	[tilespmem:v4+s22+$0x0] =	vst.idx.msk $0xffff, v0  }
0x169: {  	v4 =	vld [tilespmem:$0x100];
	_ =	sdelay $0x4  }
0x16a: {  	v5 =	vshll.u32 v4, $0x3  }
0x16b: {  	v4 =	vand.u32 $0x7F, v4;
	v5 =	vand.u32 $0xFFFFFC00, v5  }
0x16c: {  	v4 =	vor.u32 v4, v5  }
0x16d: {  	v4 =	vadd.s32 v1, v4;
	_ =	sdelay $0x4  }
0x16e: {  	[tilespmem:v4+s22+$0x0] =	vst.idx.msk $0xffff, v2  }
0x16f: {  	v4 =	vld [tilespmem:$0x110];
	_ =	sdelay $0x4  }
0x170: {  	v5 =	vshll.u32 v4, $0x3  }
0x171: {  	v4 =	vand.u32 $0x7F, v4;
	v5 =	vand.u32 $0xFFFFFC00, v5  }
0x172: {  	v4 =	vor.u32 v4, v5  }
0x173: {  	v4 =	vadd.s32 v3, v4;
	_ =	sdelay $0x4  }
0x174: {  	[tilespmem:v4+s22+$0x0] =	vst.idx.msk $0xffff, v2  }
0x175: {  	[hbm4b:s12+s2] =	stream.linear.scatter [tilespmem:s22], [sflag:$0x1], $0x8000, $0x38;
	[tilespmem:$0x10200] =	vst v63  }
0x176: {  	_ =	swait.ge [sflag:s25], $0x8000  }
0x177: {  	[sflag:s25] =	ssyncset.done $0x0  }
0x178: {  	[sflag:s25] =	ssyncadd.s32 $0xFFFF8000  }
0x179: {  	v4 =	vld [tilespmem:$0xE0];
	_ =	sdelay $0x4  }
0x17a: {  	v5 =	vshll.u32 v4, $0x3  }
0x17b: {  	v4 =	vand.u32 $0x7F, v4;
	v5 =	vand.u32 $0xFFFFFC00, v5  }
0x17c: {  	v4 =	vor.u32 v4, v5  }
0x17d: {  	v4 =	vadd.s32 v1, v4;
	_ =	sdelay $0x4  }
0x17e: {  	[tilespmem:v4+s23+$0x0] =	vst.idx.msk $0xffff, v0  }
0x17f: {  	v4 =	vld [tilespmem:$0xF0];
	_ =	sdelay $0x4  }
0x180: {  	v5 =	vshll.u32 v4, $0x3  }
0x181: {  	v4 =	vand.u32 $0x7F, v4;
	v5 =	vand.u32 $0xFFFFFC00, v5  }
0x182: {  	v4 =	vor.u32 v4, v5  }
0x183: {  	v4 =	vadd.s32 v3, v4;
	_ =	sdelay $0x4  }
0x184: {  	[tilespmem:v4+s23+$0x0] =	vst.idx.msk $0xffff, v0  }
0x185: {  	v4 =	vld [tilespmem:$0x120];
	_ =	sdelay $0x4  }
0x186: {  	v5 =	vshll.u32 v4, $0x3  }
0x187: {  	v4 =	vand.u32 $0x7F, v4;
	v5 =	vand.u32 $0xFFFFFC00, v5  }
0x188: {  	v4 =	vor.u32 v4, v5  }
0x189: {  	v4 =	vadd.s32 v1, v4;
	_ =	sdelay $0x4  }
0x18a: {  	[tilespmem:v4+s23+$0x0] =	vst.idx.msk $0xffff, v2  }
0x18b: {  	v4 =	vld [tilespmem:$0x130];
	_ =	sdelay $0x4  }
0x18c: {  	v5 =	vshll.u32 v4, $0x3  }
0x18d: {  	v4 =	vand.u32 $0x7F, v4;
	v5 =	vand.u32 $0xFFFFFC00, v5  }
0x18e: {  	v4 =	vor.u32 v4, v5  }
0x18f: {  	v4 =	vadd.s32 v3, v4;
	_ =	sdelay $0x4  }
0x190: {  	[tilespmem:v4+s23+$0x0] =	vst.idx.msk $0xffff, v2  }
0x191: {  	[hbm4b:s13+s2] =	stream.linear.scatter [tilespmem:s23], [sflag:$0x2], $0x8000, $0x38;
	[tilespmem:$0x10200] =	vst v63  }
0x192: {  	_ =	swait.ge [sflag:s24], $0x8000  }
0x193: {  	[sflag:s24] =	ssyncset.done $0x0  }
0x194: {  	[sflag:s24] =	ssyncadd.s32 $0xFFFF8000  }
0x195: {  	v4 =	vld [tilespmem:$0x100];
	_ =	sdelay $0x4  }
0x196: {  	v5 =	vshll.u32 v4, $0x3  }
0x197: {  	v4 =	vand.u32 $0x7F, v4;
	v5 =	vand.u32 $0xFFFFFC00, v5  }
0x198: {  	v4 =	vor.u32 v4, v5  }
0x199: {  	v4 =	vadd.s32 v1, v4;
	_ =	sdelay $0x4  }
0x19a: {  	[tilespmem:v4+s22+$0x0] =	vst.idx.msk $0xffff, v0  }
0x19b: {  	v4 =	vld [tilespmem:$0x110];
	_ =	sdelay $0x4  }
0x19c: {  	v5 =	vshll.u32 v4, $0x3  }
0x19d: {  	v4 =	vand.u32 $0x7F, v4;
	v5 =	vand.u32 $0xFFFFFC00, v5  }
0x19e: {  	v4 =	vor.u32 v4, v5  }
0x19f: {  	v4 =	vadd.s32 v3, v4;
	_ =	sdelay $0x4  }
0x1a0: {  	[tilespmem:v4+s22+$0x0] =	vst.idx.msk $0xffff, v0  }
0x1a1: {  	v4 =	vld [tilespmem:$0x140];
	_ =	sdelay $0x4  }
0x1a2: {  	v5 =	vshll.u32 v4, $0x3  }
0x1a3: {  	v4 =	vand.u32 $0x7F, v4;
	v5 =	vand.u32 $0xFFFFFC00, v5  }
0x1a4: {  	v4 =	vor.u32 v4, v5  }
0x1a5: {  	v4 =	vadd.s32 v1, v4;
	_ =	sdelay $0x4  }
0x1a6: {  	[tilespmem:v4+s22+$0x0] =	vst.idx.msk $0xffff, v2  }
0x1a7: {  	v4 =	vld [tilespmem:$0x150];
	_ =	sdelay $0x4  }
0x1a8: {  	v5 =	vshll.u32 v4, $0x3  }
0x1a9: {  	v4 =	vand.u32 $0x7F, v4;
	v5 =	vand.u32 $0xFFFFFC00, v5  }
0x1aa: {  	v4 =	vor.u32 v4, v5  }
0x1ab: {  	v4 =	vadd.s32 v3, v4;
	_ =	sdelay $0x4  }
0x1ac: {  	[tilespmem:v4+s22+$0x0] =	vst.idx.msk $0xffff, v2  }
0x1ad: {  	[hbm4b:s14+s2] =	stream.linear.scatter [tilespmem:s22], [sflag:$0x1], $0x8000, $0x38;
	[tilespmem:$0x10200] =	vst v63  }
0x1ae: {  	_ =	swait.ge [sflag:s25], $0x8000  }
0x1af: {  	[sflag:s25] =	ssyncset.done $0x0  }
0x1b0: {  	[sflag:s25] =	ssyncadd.s32 $0xFFFF8000  }
0x1b1: {  	v4 =	vld [tilespmem:$0x120];
	_ =	sdelay $0x4  }
0x1b2: {  	v5 =	vshll.u32 v4, $0x3  }
0x1b3: {  	v4 =	vand.u32 $0x7F, v4;
	v5 =	vand.u32 $0xFFFFFC00, v5  }
0x1b4: {  	v4 =	vor.u32 v4, v5  }
0x1b5: {  	v4 =	vadd.s32 v1, v4;
	_ =	sdelay $0x4  }
0x1b6: {  	[tilespmem:v4+s23+$0x0] =	vst.idx.msk $0xffff, v0  }
0x1b7: {  	v4 =	vld [tilespmem:$0x130];
	_ =	sdelay $0x4  }
0x1b8: {  	v5 =	vshll.u32 v4, $0x3  }
0x1b9: {  	v4 =	vand.u32 $0x7F, v4;
	v5 =	vand.u32 $0xFFFFFC00, v5  }
0x1ba: {  	v4 =	vor.u32 v4, v5  }
0x1bb: {  	v4 =	vadd.s32 v3, v4;
	_ =	sdelay $0x4  }
0x1bc: {  	[tilespmem:v4+s23+$0x0] =	vst.idx.msk $0xffff, v0  }
0x1bd: {  	v4 =	vld [tilespmem:$0x160];
	_ =	sdelay $0x4  }
0x1be: {  	v5 =	vshll.u32 v4, $0x3  }
0x1bf: {  	v4 =	vand.u32 $0x7F, v4;
	v5 =	vand.u32 $0xFFFFFC00, v5  }
0x1c0: {  	v4 =	vor.u32 v4, v5  }
0x1c1: {  	v4 =	vadd.s32 v1, v4;
	_ =	sdelay $0x4  }
0x1c2: {  	[tilespmem:v4+s23+$0x0] =	vst.idx.msk $0xffff, v2  }
0x1c3: {  	v4 =	vld [tilespmem:$0x170];
	_ =	sdelay $0x4  }
0x1c4: {  	v5 =	vshll.u32 v4, $0x3  }
0x1c5: {  	v4 =	vand.u32 $0x7F, v4;
	v5 =	vand.u32 $0xFFFFFC00, v5  }
0x1c6: {  	v4 =	vor.u32 v4, v5  }
0x1c7: {  	v4 =	vadd.s32 v3, v4;
	_ =	sdelay $0x4  }
0x1c8: {  	[tilespmem:v4+s23+$0x0] =	vst.idx.msk $0xffff, v2  }
0x1c9: {  	[hbm4b:s15+s2] =	stream.linear.scatter [tilespmem:s23], [sflag:$0x2], $0x8000, $0x38;
	[tilespmem:$0x10200] =	vst v63  }
0x1ca: {  	_ =	swait.ge [sflag:s24], $0x8000  }
0x1cb: {  	[sflag:s24] =	ssyncset.done $0x0  }
0x1cc: {  	[sflag:s24] =	ssyncadd.s32 $0xFFFF8000  }
0x1cd: {  	v4 =	vld [tilespmem:$0x140];
	_ =	sdelay $0x4  }
0x1ce: {  	v5 =	vshll.u32 v4, $0x3  }
0x1cf: {  	v4 =	vand.u32 $0x7F, v4;
	v5 =	vand.u32 $0xFFFFFC00, v5  }
0x1d0: {  	v4 =	vor.u32 v4, v5  }
0x1d1: {  	v4 =	vadd.s32 v1, v4;
	_ =	sdelay $0x4  }
0x1d2: {  	[tilespmem:v4+s22+$0x0] =	vst.idx.msk $0xffff, v0  }
0x1d3: {  	v4 =	vld [tilespmem:$0x150];
	_ =	sdelay $0x4  }
0x1d4: {  	v5 =	vshll.u32 v4, $0x3  }
0x1d5: {  	v4 =	vand.u32 $0x7F, v4;
	v5 =	vand.u32 $0xFFFFFC00, v5  }
0x1d6: {  	v4 =	vor.u32 v4, v5  }
0x1d7: {  	v4 =	vadd.s32 v3, v4;
	_ =	sdelay $0x4  }
0x1d8: {  	[tilespmem:v4+s22+$0x0] =	vst.idx.msk $0xffff, v0  }
0x1d9: {  	v4 =	vld [tilespmem:$0x180];
	_ =	sdelay $0x4  }
0x1da: {  	v5 =	vshll.u32 v4, $0x3  }
0x1db: {  	v4 =	vand.u32 $0x7F, v4;
	v5 =	vand.u32 $0xFFFFFC00, v5  }
0x1dc: {  	v4 =	vor.u32 v4, v5  }
0x1dd: {  	v4 =	vadd.s32 v1, v4;
	_ =	sdelay $0x4  }
0x1de: {  	[tilespmem:v4+s22+$0x0] =	vst.idx.msk $0xffff, v2  }
0x1df: {  	v4 =	vld [tilespmem:$0x190];
	_ =	sdelay $0x4  }
0x1e0: {  	v5 =	vshll.u32 v4, $0x3  }
0x1e1: {  	v4 =	vand.u32 $0x7F, v4;
	v5 =	vand.u32 $0xFFFFFC00, v5  }
0x1e2: {  	v4 =	vor.u32 v4, v5  }
0x1e3: {  	v4 =	vadd.s32 v3, v4;
	_ =	sdelay $0x4  }
0x1e4: {  	[tilespmem:v4+s22+$0x0] =	vst.idx.msk $0xffff, v2  }
0x1e5: {  	[hbm4b:s16+s2] =	stream.linear.scatter [tilespmem:s22], [sflag:$0x1], $0x8000, $0x38;
	[tilespmem:$0x10200] =	vst v63  }
0x1e6: {  	_ =	swait.ge [sflag:s25], $0x8000  }
0x1e7: {  	[sflag:s25] =	ssyncset.done $0x0  }
0x1e8: {  	[sflag:s25] =	ssyncadd.s32 $0xFFFF8000  }
0x1e9: {  	v4 =	vld [tilespmem:$0x160];
	_ =	sdelay $0x4  }
0x1ea: {  	v5 =	vshll.u32 v4, $0x3  }
0x1eb: {  	v4 =	vand.u32 $0x7F, v4;
	v5 =	vand.u32 $0xFFFFFC00, v5  }
0x1ec: {  	v4 =	vor.u32 v4, v5  }
0x1ed: {  	v4 =	vadd.s32 v1, v4;
	_ =	sdelay $0x4  }
0x1ee: {  	[tilespmem:v4+s23+$0x0] =	vst.idx.msk $0xffff, v0  }
0x1ef: {  	v4 =	vld [tilespmem:$0x170];
	_ =	sdelay $0x4  }
0x1f0: {  	v5 =	vshll.u32 v4, $0x3  }
0x1f1: {  	v4 =	vand.u32 $0x7F, v4;
	v5 =	vand.u32 $0xFFFFFC00, v5  }
0x1f2: {  	v4 =	vor.u32 v4, v5  }
0x1f3: {  	v4 =	vadd.s32 v3, v4;
	_ =	sdelay $0x4  }
0x1f4: {  	[tilespmem:v4+s23+$0x0] =	vst.idx.msk $0xffff, v0  }
0x1f5: {  	v4 =	vld [tilespmem:$0x1A0];
	_ =	sdelay $0x4  }
0x1f6: {  	v5 =	vshll.u32 v4, $0x3  }
0x1f7: {  	v4 =	vand.u32 $0x7F, v4;
	v5 =	vand.u32 $0xFFFFFC00, v5  }
0x1f8: {  	v4 =	vor.u32 v4, v5  }
0x1f9: {  	v4 =	vadd.s32 v1, v4;
	_ =	sdelay $0x4  }
0x1fa: {  	[tilespmem:v4+s23+$0x0] =	vst.idx.msk $0xffff, v2  }
0x1fb: {  	v4 =	vld [tilespmem:$0x1B0];
	_ =	sdelay $0x4  }
0x1fc: {  	v5 =	vshll.u32 v4, $0x3  }
0x1fd: {  	v4 =	vand.u32 $0x7F, v4;
	v5 =	vand.u32 $0xFFFFFC00, v5  }
0x1fe: {  	v4 =	vor.u32 v4, v5  }
0x1ff: {  	v4 =	vadd.s32 v3, v4;
	_ =	sdelay $0x4  }
0x200: {  	[tilespmem:v4+s23+$0x0] =	vst.idx.msk $0xffff, v2  }
0x201: {  	[hbm4b:s17+s2] =	stream.linear.scatter [tilespmem:s23], [sflag:$0x2], $0x8000, $0x38;
	[tilespmem:$0x10200] =	vst v63  }
0x202: {  	_ =	swait.ge [sflag:s24], $0x8000  }
0x203: {  	[sflag:s24] =	ssyncset.done $0x0  }
0x204: {  	[sflag:s24] =	ssyncadd.s32 $0xFFFF8000  }
0x205: {  	v4 =	vld [tilespmem:$0x180];
	_ =	sdelay $0x4  }
0x206: {  	v5 =	vshll.u32 v4, $0x3  }
0x207: {  	v4 =	vand.u32 $0x7F, v4;
	v5 =	vand.u32 $0xFFFFFC00, v5  }
0x208: {  	v4 =	vor.u32 v4, v5  }
0x209: {  	v4 =	vadd.s32 v1, v4;
	_ =	sdelay $0x4  }
0x20a: {  	[tilespmem:v4+s22+$0x0] =	vst.idx.msk $0xffff, v0  }
0x20b: {  	v4 =	vld [tilespmem:$0x190];
	_ =	sdelay $0x4  }
0x20c: {  	v5 =	vshll.u32 v4, $0x3  }
0x20d: {  	v4 =	vand.u32 $0x7F, v4;
	v5 =	vand.u32 $0xFFFFFC00, v5  }
0x20e: {  	v4 =	vor.u32 v4, v5  }
0x20f: {  	v4 =	vadd.s32 v3, v4;
	_ =	sdelay $0x4  }
0x210: {  	[tilespmem:v4+s22+$0x0] =	vst.idx.msk $0xffff, v0  }
0x211: {  	v4 =	vld [tilespmem:$0x1C0];
	_ =	sdelay $0x4  }
0x212: {  	v5 =	vshll.u32 v4, $0x3  }
0x213: {  	v4 =	vand.u32 $0x7F, v4;
	v5 =	vand.u32 $0xFFFFFC00, v5  }
0x214: {  	v4 =	vor.u32 v4, v5  }
0x215: {  	v4 =	vadd.s32 v1, v4;
	_ =	sdelay $0x4  }
0x216: {  	[tilespmem:v4+s22+$0x0] =	vst.idx.msk $0xffff, v2  }
0x217: {  	v4 =	vld [tilespmem:$0x1D0];
	_ =	sdelay $0x4  }
0x218: {  	v5 =	vshll.u32 v4, $0x3  }
0x219: {  	v4 =	vand.u32 $0x7F, v4;
	v5 =	vand.u32 $0xFFFFFC00, v5  }
0x21a: {  	v4 =	vor.u32 v4, v5  }
0x21b: {  	v4 =	vadd.s32 v3, v4;
	_ =	sdelay $0x4  }
0x21c: {  	[tilespmem:v4+s22+$0x0] =	vst.idx.msk $0xffff, v2  }
0x21d: {  	[hbm4b:s18+s2] =	stream.linear.scatter [tilespmem:s22], [sflag:$0x1], $0x8000, $0x38;
	[tilespmem:$0x10200] =	vst v63  }
0x21e: {  	_ =	swait.ge [sflag:s25], $0x8000  }
0x21f: {  	[sflag:s25] =	ssyncset.done $0x0  }
0x220: {  	[sflag:s25] =	ssyncadd.s32 $0xFFFF8000  }
0x221: {  	v4 =	vld [tilespmem:$0x1A0];
	_ =	sdelay $0x4  }
0x222: {  	v5 =	vshll.u32 v4, $0x3  }
0x223: {  	v4 =	vand.u32 $0x7F, v4;
	v5 =	vand.u32 $0xFFFFFC00, v5  }
0x224: {  	v4 =	vor.u32 v4, v5  }
0x225: {  	v4 =	vadd.s32 v1, v4;
	_ =	sdelay $0x4  }
0x226: {  	[tilespmem:v4+s23+$0x0] =	vst.idx.msk $0xffff, v0  }
0x227: {  	v4 =	vld [tilespmem:$0x1B0];
	_ =	sdelay $0x4  }
0x228: {  	v5 =	vshll.u32 v4, $0x3  }
0x229: {  	v4 =	vand.u32 $0x7F, v4;
	v5 =	vand.u32 $0xFFFFFC00, v5  }
0x22a: {  	v4 =	vor.u32 v4, v5  }
0x22b: {  	v4 =	vadd.s32 v3, v4;
	_ =	sdelay $0x4  }
0x22c: {  	[tilespmem:v4+s23+$0x0] =	vst.idx.msk $0xffff, v0  }
0x22d: {  	v4 =	vld [tilespmem:$0x1E0];
	_ =	sdelay $0x4  }
0x22e: {  	v5 =	vshll.u32 v4, $0x3  }
0x22f: {  	v4 =	vand.u32 $0x7F, v4;
	v5 =	vand.u32 $0xFFFFFC00, v5  }
0x230: {  	v4 =	vor.u32 v4, v5  }
0x231: {  	v4 =	vadd.s32 v1, v4;
	_ =	sdelay $0x4  }
0x232: {  	[tilespmem:v4+s23+$0x0] =	vst.idx.msk $0xffff, v2  }
0x233: {  	v4 =	vld [tilespmem:$0x1F0];
	_ =	sdelay $0x4  }
0x234: {  	v5 =	vshll.u32 v4, $0x3  }
0x235: {  	v4 =	vand.u32 $0x7F, v4;
	v5 =	vand.u32 $0xFFFFFC00, v5  }
0x236: {  	v4 =	vor.u32 v4, v5  }
0x237: {  	v4 =	vadd.s32 v3, v4;
	_ =	sdelay $0x4  }
0x238: {  	s26 =	sadd.s32 $0x1, s26;
	[tilespmem:v4+s23+$0x0] =	vst.idx.msk $0xffff, v2  }
0x239: {  	[hbm4b:s19+s2] =	stream.linear.scatter [tilespmem:s23], [sflag:$0x2], $0x8000, $0x38;
	[tilespmem:$0x10200] =	vst v63  }
0x23a: {  	p0 =	sne.s32 s26, s20;
	_ =	swait.ge [sflag:s24], $0x8000  }
.Ltmp1:
0x23b: {  	[sflag:s24] =	ssyncset.done $0x0;
	(pc) =	sbr.rel @p0 .LBB2_1-.Ltmp1, $4  }
0x23c: {  	[sflag:s24] =	ssyncadd.s32 $0xFFFF8000  }
0x23d: {  	_ =	swait.ge [sflag:s25], $0x8000  }
0x23e: {  	[sflag:s25] =	ssyncset.done $0x0  }
0x23f: {  	[sflag:s25] =	ssyncadd.s32 $0xFFFF8000  }
0x240: {  	_ =	sfence.sel $0x180000  }
0x241: {  	[bflag:$0x0] =	sbarrier.arrive $0xFFFF  }
0x242: {  	_ =	strace $0x90000047  }
0x243: {  	s0 =	stileid.u32;
	[bflag:$0x2] =	sbarrier.arrive $0xFFFF  }
0x244: {  	p0 =	sne.s32 s0, $0x0;
	s0 =	rddreg [dreg:$0x2]  }
0x245: {  	s0 =	sadd.s32 @!p0 $0x100000, s0  }
0x246: {  	[sflag:s0] =	ssyncadd.tile.s32 @!p0 $0x1;
	_ =	shalt  }
.Lfunc_end2:
_tile_overlayer_lowered:
.L_overlay_start_2:
0x247: {  	(tag) =	ssettag $0x2  }
0x248: {  	s0 =	rddreg [dreg:$0x0];
	s2 =	stileid.u32  }
0x249: {  	s1 =	rddreg [dreg:$0x1];
	p0 =	sne.s32 s2, $0x0  }
0x24a: {  	s3 =	rddreg [dreg:$0x2];
	[bflag:$0x3] =	sbarrier.arrive $0xFFFF;
	s2 =	simm.s32 @!p0 $0x1C03  }
0x24b: {  	[timem:s3], [sflag:s2] =	dma.local @!p0 [hbm:s0], s1  }
0x24c: {  	s0 =	simm.s32 @!p0 $0x3  }
0x24d: {  	_ =	swait.ge @!p0 [sflag:s0], s1  }
0x24e: {  	s1 =	ssub.s32 @!p0 $0x0, s1;
	[sflag:s0] =	ssyncset.done @!p0 $0x0  }
0x24f: {  	[sflag:s0] =	ssyncadd.s32 @!p0 s1  }
0x250: {  	[bflag:$0x3] =	sbarrier.arrive $0xFFFF  }
0x251: {  	_ =	shalt  }

</sc_bundles>
